<compile_context>
chip_gen: v7x
topology: tpu7x:2x2x1
jax: 0.10.2.dev20260603
libtpu: 0.0.44.dev20260713+nightly
codegen_flags: <defaults>
</compile_context>

<pallas_src>
import functools

import jax
import jax.numpy as jnp
from jax import lax
from jax.experimental import pallas as pl
from jax.experimental.pallas import tpu as pltpu
from jax.experimental.pallas import tpu_sc as plsc

NUM_EMB = 10
EMB_DIM = 5
BATCH = 16384
HIST = 200

NC = 2
NS = 16
NW = NC * NS
BW = BATCH // NW
LCH = 8
NCHUNK = HIST // LCH
LANES = 16
NV = BW // LANES
UNROLL = 4


def _sc_body(idx_hbm, tab_hbm, out_hbm, tab_v, tab_stage,
             idx_v0, idx_v1, out_v0, out_v1,
             sem_i0, sem_i1, sem_o0, sem_o1):
    cid = lax.axis_index("c")
    sid = lax.axis_index("s")
    wid = sid * NC + cid
    b0 = wid * BW

    pltpu.sync_copy(tab_hbm, tab_stage)
    lane = lax.iota(jnp.int32, LANES)
    for j in range(4):
        pos = lane + j * LANES
        row = (pos * 13108) >> 16
        colv = pos - row * 5
        tab_v[pl.ds(j * LANES, LANES)] = jnp.maximum(
            plsc.load_gather(tab_stage, [colv, row]), 0.0)

    in_bufs = (idx_v0, idx_v1)
    out_bufs = (out_v0, out_v1)
    sem_in = (sem_i0, sem_i1)
    sem_out = (sem_o0, sem_o1)

    def start_in(c, b):
        return pltpu.async_copy(
            idx_hbm.at[pl.ds(c * LCH, LCH), pl.ds(b0, BW)],
            in_bufs[b], sem_in[b])

    def start_out(c, b):
        return pltpu.async_copy(
            out_bufs[b],
            out_hbm.at[:, pl.ds(c * LCH, LCH), pl.ds(b0, BW)],
            sem_out[b])

    def compute(in_b, out_b):
        @plsc.parallel_loop(0, LCH * NV, unroll=UNROLL)
        def body(i):
            l = i >> 5
            v = (i & (NV - 1)) * LANES
            iv5 = in_b[l, pl.ds(v, LANES)] * 5
            for d in range(EMB_DIM):
                out_b[d, l, pl.ds(v, LANES)] = plsc.load_gather(
                    tab_v, [iv5 + d])

    def wait_in(c, b):
        pltpu.make_async_copy(
            idx_hbm.at[pl.ds(c * LCH, LCH), pl.ds(b0, BW)],
            in_bufs[b], sem_in[b]).wait()

    def wait_out(c, b):
        pltpu.make_async_copy(
            out_bufs[b],
            out_hbm.at[:, pl.ds(c * LCH, LCH), pl.ds(b0, BW)],
            sem_out[b]).wait()

    start_in(0, 0)
    start_in(1, 1)

    @pl.loop(0, NCHUNK - 1, step=2)
    def _chunks(g):
        for sub in range(2):
            c = g + sub
            wait_in(c, sub)

            @pl.when(c >= 2)
            def _drain():
                wait_out(c - 2, sub)

            compute(in_bufs[sub], out_bufs[sub])
            start_out(c, sub)

            @pl.when(c + 2 < NCHUNK)
            def _prefetch():
                start_in(c + 2, sub)

    c = NCHUNK - 1
    wait_in(c, 0)
    wait_out(c - 2, 0)
    compute(in_bufs[0], out_bufs[0])
    start_out(c, 0)
    wait_out(NCHUNK - 2, 1)
    wait_out(NCHUNK - 1, 0)


@jax.jit
def _lookup(idx_t, tab_flat):
    mesh = plsc.VectorSubcoreMesh(core_axis_name="c", subcore_axis_name="s")
    f = functools.partial(
        pl.kernel,
        mesh=mesh,
        out_type=jax.ShapeDtypeStruct((EMB_DIM, HIST, BATCH), jnp.float32),
        scratch_types=[
            pltpu.VMEM((64,), jnp.float32),
            pltpu.VMEM((EMB_DIM, NUM_EMB), jnp.float32),
            pltpu.VMEM((LCH, BW), jnp.int32),
            pltpu.VMEM((LCH, BW), jnp.int32),
            pltpu.VMEM((EMB_DIM, LCH, BW), jnp.float32),
            pltpu.VMEM((EMB_DIM, LCH, BW), jnp.float32),
            pltpu.SemaphoreType.DMA,
            pltpu.SemaphoreType.DMA,
            pltpu.SemaphoreType.DMA,
            pltpu.SemaphoreType.DMA,
        ],
        compiler_params=pltpu.CompilerParams(needs_layout_passes=False, disable_bounds_checks=True, disable_semaphore_checks=True),
    )(_sc_body)
    return f(idx_t, tab_flat)


def kernel(indices, table):
    idx_t = jnp.transpose(indices.astype(jnp.int32))
    out_t = _lookup(idx_t, jnp.transpose(table))
    return jnp.transpose(out_t, (2, 1, 0))

# --- scband reference (transcript-rebuilt; emitter-appended) ---
"""Pipeline reference for scband-sm2-54511724921014 (READ-ONLY COPY).

The authoritative reference and input builder live on the scoring server;
editing this copy changes nothing except your own understanding.
"""

import jax, jax.numpy as jnp
import numpy as np

NUM_EMB = 10
EMB_DIM = 5
BATCH = 16384
HIST = 200


def setup_inputs(seed: int = 0) -> dict:
    key = jax.random.key(seed)
    k_idx, k_tab = jax.random.split(key)
    indices = jax.random.randint(k_idx, (BATCH, HIST), 0, NUM_EMB, dtype=jnp.int64 if jax.config.jax_enable_x64 else jnp.int32)
    table = jax.random.normal(k_tab, (NUM_EMB, EMB_DIM), dtype=jnp.float32)
    return {"indices": indices, "table": table}


def reference(indices, table):
    # SM2.fea = Sequential(Embedding(10,5), Dropout(0.2), ReLU())
    # Dropout is identity in eval mode.
    emb = jnp.take(table, indices, axis=0)  # [B, L, 5] gather (embedding lookup)
    out = jax.nn.relu(emb)
    return out

if __name__ == "__main__":
    import jax
    _d = setup_inputs()
    print(jax.jit(kernel)(*tuple(_d.values())))

</pallas_src>

<mosaic_0001>
#map = affine_map<(d0, d1) -> (0, 0)>
#map1 = affine_map<(d0, d1) -> (0, 0, 0)>
module attributes {stable_mosaic.version = 14 : i64} {
  func.func @_sc_body(%arg0: i32, %arg1: i32, %arg2: memref<200x16384xi32, #tpu.memory_space<hbm>>, %arg3: memref<5x10xf32, #tpu.memory_space<hbm>>, %arg4: memref<5x200x16384xf32, #tpu.memory_space<hbm>>, %arg5: memref<64xf32, #tpu.memory_space<vmem>>, %arg6: memref<5x10xf32, #tpu.memory_space<vmem>>, %arg7: memref<8x512xi32, #tpu.memory_space<vmem>>, %arg8: memref<8x512xi32, #tpu.memory_space<vmem>>, %arg9: memref<5x8x512xf32, #tpu.memory_space<vmem>>, %arg10: memref<5x8x512xf32, #tpu.memory_space<vmem>>, %arg11: memref<!tpu.dma_semaphore, #tpu.memory_space<semaphore_mem>>, %arg12: memref<!tpu.dma_semaphore, #tpu.memory_space<semaphore_mem>>, %arg13: memref<!tpu.dma_semaphore, #tpu.memory_space<semaphore_mem>>, %arg14: memref<!tpu.dma_semaphore, #tpu.memory_space<semaphore_mem>>) attributes {dimension_semantics = [#tpu.dimension_semantics<core_parallel>, #tpu.dimension_semantics<subcore_parallel>], iteration_bounds = array<i64: 2, 16>, scalar_prefetch = 0 : i64, scratch_operands = 10 : i64, tpu.core_type = #tpu.core_type<sc_vector_subcore>, window_params = [{transform_indices = #map}, {transform_indices = #map}, {transform_indices = #map1}]} {
    %mul3A = arith.constant 2 : i32
    %mul3A_0 = arith.muli %arg1, %mul3A : i32
    %add3A = arith.addi %mul3A_0, %arg0 : i32
    %mul3A_1 = arith.constant 512 : i32
    %mul3A_2 = arith.muli %add3A, %mul3A_1 : i32
    "tpu.region"() ({
      %run_scoped3A = tpu.sem_alloc : memref<!tpu.dma_semaphore, #tpu.memory_space<semaphore_mem>>
      tpu.enqueue_dma source(%arg3 : memref<5x10xf32, #tpu.memory_space<hbm>>) target(%arg6 : memref<5x10xf32, #tpu.memory_space<vmem>>) target_semaphore(%run_scoped3A : memref<!tpu.dma_semaphore, #tpu.memory_space<semaphore_mem>>)
      tpu.wait_dma2 semaphore(%run_scoped3A : memref<!tpu.dma_semaphore, #tpu.memory_space<semaphore_mem>>) src(%arg3 : memref<5x10xf32, #tpu.memory_space<hbm>>) dst(%arg6 : memref<5x10xf32, #tpu.memory_space<vmem>>)
      tpu.yield
    }) : () -> ()
    %iota3A = tpu.iota {dimensions = array<i32: 0>} : vector<16xi32>
    %add3A_3 = arith.constant 0 : i32
    %add3A_4 = vector.broadcast %add3A_3 : i32 to vector<16xi32>
    %add3A_5 = arith.addi %iota3A, %add3A_4 : vector<16xi32>
    %mul3A_6 = arith.constant 13108 : i32
    %mul3A_7 = vector.broadcast %mul3A_6 : i32 to vector<16xi32>
    %mul3A_8 = arith.muli %add3A_5, %mul3A_7 : vector<16xi32>
    %shift_right_arithmetic3A = arith.constant 16 : i32
    %shift_right_arithmetic3A_9 = vector.broadcast %shift_right_arithmetic3A : i32 to vector<16xi32>
    %shift_right_arithmetic3A_10 = arith.shrsi %mul3A_8, %shift_right_arithmetic3A_9 : vector<16xi32>
    %mul3A_11 = arith.constant 5 : i32
    %mul3A_12 = vector.broadcast %mul3A_11 : i32 to vector<16xi32>
    %mul3A_13 = arith.muli %shift_right_arithmetic3A_10, %mul3A_12 : vector<16xi32>
    %sub3A = arith.subi %add3A_5, %mul3A_13 : vector<16xi32>
    %gather3A = tpu.vector_load_idx %arg6[%sub3A, %shift_right_arithmetic3A_10] : memref<5x10xf32, #tpu.memory_space<vmem>>[vector<16xi32>, vector<16xi32>], vector<16xf32>,
    %max3A = arith.constant 0.000000e+00 : f32
    %max3A_14 = vector.broadcast %max3A : f32 to vector<16xf32>
    %max3A_15 = arith.maximumf %gather3A, %max3A_14 : vector<16xf32>
    %swap3A = arith.constant 0 : index
    %swap3A_16 = tpu.vector_load %arg5[%swap3A] {strides = array<i32>} : memref<64xf32, #tpu.memory_space<vmem>>, vector<16xf32>,
    tpu.vector_store %arg5[%swap3A], %max3A_15 {strides = array<i32>} : memref<64xf32, #tpu.memory_space<vmem>>, vector<16xf32>,
    %add3A_17 = arith.constant 16 : i32
    %add3A_18 = vector.broadcast %add3A_17 : i32 to vector<16xi32>
    %add3A_19 = arith.addi %iota3A, %add3A_18 : vector<16xi32>
    %mul3A_20 = arith.constant 13108 : i32
    %mul3A_21 = vector.broadcast %mul3A_20 : i32 to vector<16xi32>
    %mul3A_22 = arith.muli %add3A_19, %mul3A_21 : vector<16xi32>
    %shift_right_arithmetic3A_23 = arith.constant 16 : i32
    %shift_right_arithmetic3A_24 = vector.broadcast %shift_right_arithmetic3A_23 : i32 to vector<16xi32>
    %shift_right_arithmetic3A_25 = arith.shrsi %mul3A_22, %shift_right_arithmetic3A_24 : vector<16xi32>
    %mul3A_26 = arith.constant 5 : i32
    %mul3A_27 = vector.broadcast %mul3A_26 : i32 to vector<16xi32>
    %mul3A_28 = arith.muli %shift_right_arithmetic3A_25, %mul3A_27 : vector<16xi32>
    %sub3A_29 = arith.subi %add3A_19, %mul3A_28 : vector<16xi32>
    %gather3A_30 = tpu.vector_load_idx %arg6[%sub3A_29, %shift_right_arithmetic3A_25] : memref<5x10xf32, #tpu.memory_space<vmem>>[vector<16xi32>, vector<16xi32>], vector<16xf32>,
    %max3A_31 = arith.constant 0.000000e+00 : f32
    %max3A_32 = vector.broadcast %max3A_31 : f32 to vector<16xf32>
    %max3A_33 = arith.maximumf %gather3A_30, %max3A_32 : vector<16xf32>
    %swap3A_34 = arith.constant 16 : index
    %swap3A_35 = tpu.vector_load %arg5[%swap3A_34] {strides = array<i32>} : memref<64xf32, #tpu.memory_space<vmem>>, vector<16xf32>,
    tpu.vector_store %arg5[%swap3A_34], %max3A_33 {strides = array<i32>} : memref<64xf32, #tpu.memory_space<vmem>>, vector<16xf32>,
    %add3A_36 = arith.constant 32 : i32
    %add3A_37 = vector.broadcast %add3A_36 : i32 to vector<16xi32>
    %add3A_38 = arith.addi %iota3A, %add3A_37 : vector<16xi32>
    %mul3A_39 = arith.constant 13108 : i32
    %mul3A_40 = vector.broadcast %mul3A_39 : i32 to vector<16xi32>
    %mul3A_41 = arith.muli %add3A_38, %mul3A_40 : vector<16xi32>
    %shift_right_arithmetic3A_42 = arith.constant 16 : i32
    %shift_right_arithmetic3A_43 = vector.broadcast %shift_right_arithmetic3A_42 : i32 to vector<16xi32>
    %shift_right_arithmetic3A_44 = arith.shrsi %mul3A_41, %shift_right_arithmetic3A_43 : vector<16xi32>
    %mul3A_45 = arith.constant 5 : i32
    %mul3A_46 = vector.broadcast %mul3A_45 : i32 to vector<16xi32>
    %mul3A_47 = arith.muli %shift_right_arithmetic3A_44, %mul3A_46 : vector<16xi32>
    %sub3A_48 = arith.subi %add3A_38, %mul3A_47 : vector<16xi32>
    %gather3A_49 = tpu.vector_load_idx %arg6[%sub3A_48, %shift_right_arithmetic3A_44] : memref<5x10xf32, #tpu.memory_space<vmem>>[vector<16xi32>, vector<16xi32>], vector<16xf32>,
    %max3A_50 = arith.constant 0.000000e+00 : f32
    %max3A_51 = vector.broadcast %max3A_50 : f32 to vector<16xf32>
    %max3A_52 = arith.maximumf %gather3A_49, %max3A_51 : vector<16xf32>
    %swap3A_53 = arith.constant 32 : index
    %swap3A_54 = tpu.vector_load %arg5[%swap3A_53] {strides = array<i32>} : memref<64xf32, #tpu.memory_space<vmem>>, vector<16xf32>,
    tpu.vector_store %arg5[%swap3A_53], %max3A_52 {strides = array<i32>} : memref<64xf32, #tpu.memory_space<vmem>>, vector<16xf32>,
    %add3A_55 = arith.constant 48 : i32
    %add3A_56 = vector.broadcast %add3A_55 : i32 to vector<16xi32>
    %add3A_57 = arith.addi %iota3A, %add3A_56 : vector<16xi32>
    %mul3A_58 = arith.constant 13108 : i32
    %mul3A_59 = vector.broadcast %mul3A_58 : i32 to vector<16xi32>
    %mul3A_60 = arith.muli %add3A_57, %mul3A_59 : vector<16xi32>
    %shift_right_arithmetic3A_61 = arith.constant 16 : i32
    %shift_right_arithmetic3A_62 = vector.broadcast %shift_right_arithmetic3A_61 : i32 to vector<16xi32>
    %shift_right_arithmetic3A_63 = arith.shrsi %mul3A_60, %shift_right_arithmetic3A_62 : vector<16xi32>
    %mul3A_64 = arith.constant 5 : i32
    %mul3A_65 = vector.broadcast %mul3A_64 : i32 to vector<16xi32>
    %mul3A_66 = arith.muli %shift_right_arithmetic3A_63, %mul3A_65 : vector<16xi32>
    %sub3A_67 = arith.subi %add3A_57, %mul3A_66 : vector<16xi32>
    %gather3A_68 = tpu.vector_load_idx %arg6[%sub3A_67, %shift_right_arithmetic3A_63] : memref<5x10xf32, #tpu.memory_space<vmem>>[vector<16xi32>, vector<16xi32>], vector<16xf32>,
    %max3A_69 = arith.constant 0.000000e+00 : f32
    %max3A_70 = vector.broadcast %max3A_69 : f32 to vector<16xf32>
    %max3A_71 = arith.maximumf %gather3A_68, %max3A_70 : vector<16xf32>
    %swap3A_72 = arith.constant 48 : index
    %swap3A_73 = tpu.vector_load %arg5[%swap3A_72] {strides = array<i32>} : memref<64xf32, #tpu.memory_space<vmem>>, vector<16xf32>,
    tpu.vector_store %arg5[%swap3A_72], %max3A_71 {strides = array<i32>} : memref<64xf32, #tpu.memory_space<vmem>>, vector<16xf32>,
    %dma_start3A = arith.constant 0 : i32
    %dma_start3A_74 = tpu.memref_slice %arg2[%dma_start3A, %mul3A_2] : memref<200x16384xi32, #tpu.memory_space<hbm>> -> memref<8x512xi32, #tpu.memory_space<hbm>>
    %dma_start3A_75 = arith.constant 0 : i32
    %dma_start3A_76 = tpu.memref_slice %arg2[%dma_start3A_75, %mul3A_2] : memref<200x16384xi32, #tpu.memory_space<hbm>> -> memref<8x512xi32, #tpu.memory_space<hbm>>
    tpu.enqueue_dma source(%dma_start3A_76 : memref<8x512xi32, #tpu.memory_space<hbm>>) target(%arg7 : memref<8x512xi32, #tpu.memory_space<vmem>>) target_semaphore(%arg11 : memref<!tpu.dma_semaphore, #tpu.memory_space<semaphore_mem>>)
    %dma_start3A_77 = arith.constant 8 : i32
    %dma_start3A_78 = tpu.memref_slice %arg2[%dma_start3A_77, %mul3A_2] : memref<200x16384xi32, #tpu.memory_space<hbm>> -> memref<8x512xi32, #tpu.memory_space<hbm>>
    %dma_start3A_79 = arith.constant 8 : i32
    %dma_start3A_80 = tpu.memref_slice %arg2[%dma_start3A_79, %mul3A_2] : memref<200x16384xi32, #tpu.memory_space<hbm>> -> memref<8x512xi32, #tpu.memory_space<hbm>>
    tpu.enqueue_dma source(%dma_start3A_80 : memref<8x512xi32, #tpu.memory_space<hbm>>) target(%arg8 : memref<8x512xi32, #tpu.memory_space<vmem>>) target_semaphore(%arg12 : memref<!tpu.dma_semaphore, #tpu.memory_space<semaphore_mem>>)
    %scan3A = arith.constant 0 : i32
    %scan3A_81 = arith.constant 12 : i32
    %scan3A_82 = arith.addi %scan3A, %scan3A_81 : i32
    %scan3A_83 = arith.constant 1 : i32
    scf.for %scan3A_114 = %scan3A to %scan3A_82 step %scan3A_83  : i32 {
      %mul3A_115 = arith.constant 2 : i32
      %mul3A_116 = arith.muli %scan3A_114, %mul3A_115 : i32
      %add3A_117 = arith.constant 0 : i32
      %add3A_118 = arith.addi %add3A_117, %mul3A_116 : i32
      %add3A_119 = arith.constant 0 : i32
      %add3A_120 = arith.addi %add3A_118, %add3A_119 : i32
      %mul3A_121 = arith.constant 8 : i32
      %mul3A_122 = arith.muli %add3A_120, %mul3A_121 : i32
      %dma_wait3A_123 = tpu.memref_slice %arg2[%mul3A_122, %mul3A_2] : memref<200x16384xi32, #tpu.memory_space<hbm>> -> memref<8x512xi32, #tpu.memory_space<hbm>>
      %dma_wait3A_124 = tpu.memref_slice %arg2[%mul3A_122, %mul3A_2] : memref<200x16384xi32, #tpu.memory_space<hbm>> -> memref<8x512xi32, #tpu.memory_space<hbm>>
      tpu.wait_dma2 semaphore(%arg11 : memref<!tpu.dma_semaphore, #tpu.memory_space<semaphore_mem>>) src(%dma_wait3A_124 : memref<8x512xi32, #tpu.memory_space<hbm>>) dst(%arg7 : memref<8x512xi32, #tpu.memory_space<vmem>>)
      %ge3A = arith.constant 2 : i32
      %ge3A_125 = arith.cmpi sge, %add3A_120, %ge3A : i32
      %convert_element_type3A = arith.extui %ge3A_125 : i1 to i32
      %cond3A = arith.constant 0 : i32
      %cond3A_126 = arith.cmpi ne, %convert_element_type3A, %cond3A : i32
      scf.if %cond3A_126 {
        %sub3A_169 = arith.constant 2 : i32
        %sub3A_170 = arith.subi %add3A_120, %sub3A_169 : i32
        %mul3A_171 = arith.constant 8 : i32
        %mul3A_172 = arith.muli %sub3A_170, %mul3A_171 : i32
        %dma_wait3A_173 = arith.constant 0 : i32
        %dma_wait3A_174 = tpu.memref_slice %arg4[%dma_wait3A_173, %mul3A_172, %mul3A_2] : memref<5x200x16384xf32, #tpu.memory_space<hbm>> -> memref<5x8x512xf32, #tpu.memory_space<hbm>>
        %dma_wait3A_175 = arith.constant 0 : i32
        %dma_wait3A_176 = tpu.memref_slice %arg4[%dma_wait3A_175, %mul3A_172, %mul3A_2] : memref<5x200x16384xf32, #tpu.memory_space<hbm>> -> memref<5x8x512xf32, #tpu.memory_space<hbm>>
        tpu.wait_dma2 semaphore(%arg13 : memref<!tpu.dma_semaphore, #tpu.memory_space<semaphore_mem>>) src(%arg9 : memref<5x8x512xf32, #tpu.memory_space<vmem>>) dst(%dma_wait3A_176 : memref<5x8x512xf32, #tpu.memory_space<hbm>>)
      } else {
      }
      %parallel_loop3A_127 = arith.constant 0 : i32
      %parallel_loop3A_128 = arith.constant 256 : i32
      %parallel_loop3A_129 = arith.constant 1 : i32
      scf.for %parallel_loop3A_169 = %parallel_loop3A_127 to %parallel_loop3A_128 step %parallel_loop3A_129  : i32 {
        %parallel_loop3A_170 = arith.constant 5 : i32
        %parallel_loop3A_171 = arith.shrsi %parallel_loop3A_169, %parallel_loop3A_170 : i32
        %parallel_loop3A_172 = arith.constant 31 : i32
        %parallel_loop3A_173 = arith.andi %parallel_loop3A_169, %parallel_loop3A_172 : i32
        %parallel_loop3A_174 = arith.constant 16 : i32
        %parallel_loop3A_175 = arith.muli %parallel_loop3A_173, %parallel_loop3A_174 : i32
        %parallel_loop3A_176 = arith.index_cast %parallel_loop3A_171 : i32 to index
        %parallel_loop3A_177 = arith.index_cast %parallel_loop3A_175 : i32 to index
        %parallel_loop3A_178 = tpu.vector_load %arg7[%parallel_loop3A_176, %parallel_loop3A_177] {strides = array<i32>} : memref<8x512xi32, #tpu.memory_space<vmem>>, vector<16xi32>,
        %parallel_loop3A_179 = arith.constant 5 : i32
        %parallel_loop3A_180 = vector.broadcast %parallel_loop3A_179 : i32 to vector<16xi32>
        %parallel_loop3A_181 = arith.muli %parallel_loop3A_178, %parallel_loop3A_180 : vector<16xi32>
        %parallel_loop3A_182 = arith.constant 0 : i32
        %parallel_loop3A_183 = vector.broadcast %parallel_loop3A_182 : i32 to vector<16xi32>
        %parallel_loop3A_184 = arith.addi %parallel_loop3A_181, %parallel_loop3A_183 : vector<16xi32>
        %parallel_loop3A_185 = tpu.vector_load_idx %arg5[%parallel_loop3A_184] : memref<64xf32, #tpu.memory_space<vmem>>[vector<16xi32>], vector<16xf32>,
        %parallel_loop3A_186 = arith.constant 0 : i32
        %parallel_loop3A_187 = arith.index_cast %parallel_loop3A_186 : i32 to index
        %parallel_loop3A_188 = arith.index_cast %parallel_loop3A_171 : i32 to index
        %parallel_loop3A_189 = arith.index_cast %parallel_loop3A_175 : i32 to index
        %parallel_loop3A_190 = tpu.vector_load %arg9[%parallel_loop3A_187, %parallel_loop3A_188, %parallel_loop3A_189] {strides = array<i32>} : memref<5x8x512xf32, #tpu.memory_space<vmem>>, vector<16xf32>,
        tpu.vector_store %arg9[%parallel_loop3A_187, %parallel_loop3A_188, %parallel_loop3A_189], %parallel_loop3A_185 {strides = array<i32>} : memref<5x8x512xf32, #tpu.memory_space<vmem>>, vector<16xf32>,
        %parallel_loop3A_191 = arith.constant 1 : i32
        %parallel_loop3A_192 = vector.broadcast %parallel_loop3A_191 : i32 to vector<16xi32>
        %parallel_loop3A_193 = arith.addi %parallel_loop3A_181, %parallel_loop3A_192 : vector<16xi32>
        %parallel_loop3A_194 = tpu.vector_load_idx %arg5[%parallel_loop3A_193] : memref<64xf32, #tpu.memory_space<vmem>>[vector<16xi32>], vector<16xf32>,
        %parallel_loop3A_195 = arith.constant 1 : i32
        %parallel_loop3A_196 = arith.index_cast %parallel_loop3A_195 : i32 to index
        %parallel_loop3A_197 = arith.index_cast %parallel_loop3A_171 : i32 to index
        %parallel_loop3A_198 = arith.index_cast %parallel_loop3A_175 : i32 to index
        %parallel_loop3A_199 = tpu.vector_load %arg9[%parallel_loop3A_196, %parallel_loop3A_197, %parallel_loop3A_198] {strides = array<i32>} : memref<5x8x512xf32, #tpu.memory_space<vmem>>, vector<16xf32>,
        tpu.vector_store %arg9[%parallel_loop3A_196, %parallel_loop3A_197, %parallel_loop3A_198], %parallel_loop3A_194 {strides = array<i32>} : memref<5x8x512xf32, #tpu.memory_space<vmem>>, vector<16xf32>,
        %parallel_loop3A_200 = arith.constant 2 : i32
        %parallel_loop3A_201 = vector.broadcast %parallel_loop3A_200 : i32 to vector<16xi32>
        %parallel_loop3A_202 = arith.addi %parallel_loop3A_181, %parallel_loop3A_201 : vector<16xi32>
        %parallel_loop3A_203 = tpu.vector_load_idx %arg5[%parallel_loop3A_202] : memref<64xf32, #tpu.memory_space<vmem>>[vector<16xi32>], vector<16xf32>,
        %parallel_loop3A_204 = arith.constant 2 : i32
        %parallel_loop3A_205 = arith.index_cast %parallel_loop3A_204 : i32 to index
        %parallel_loop3A_206 = arith.index_cast %parallel_loop3A_171 : i32 to index
        %parallel_loop3A_207 = arith.index_cast %parallel_loop3A_175 : i32 to index
        %parallel_loop3A_208 = tpu.vector_load %arg9[%parallel_loop3A_205, %parallel_loop3A_206, %parallel_loop3A_207] {strides = array<i32>} : memref<5x8x512xf32, #tpu.memory_space<vmem>>, vector<16xf32>,
        tpu.vector_store %arg9[%parallel_loop3A_205, %parallel_loop3A_206, %parallel_loop3A_207], %parallel_loop3A_203 {strides = array<i32>} : memref<5x8x512xf32, #tpu.memory_space<vmem>>, vector<16xf32>,
        %parallel_loop3A_209 = arith.constant 3 : i32
        %parallel_loop3A_210 = vector.broadcast %parallel_loop3A_209 : i32 to vector<16xi32>
        %parallel_loop3A_211 = arith.addi %parallel_loop3A_181, %parallel_loop3A_210 : vector<16xi32>
        %parallel_loop3A_212 = tpu.vector_load_idx %arg5[%parallel_loop3A_211] : memref<64xf32, #tpu.memory_space<vmem>>[vector<16xi32>], vector<16xf32>,
        %parallel_loop3A_213 = arith.constant 3 : i32
        %parallel_loop3A_214 = arith.index_cast %parallel_loop3A_213 : i32 to index
        %parallel_loop3A_215 = arith.index_cast %parallel_loop3A_171 : i32 to index
        %parallel_loop3A_216 = arith.index_cast %parallel_loop3A_175 : i32 to index
        %parallel_loop3A_217 = tpu.vector_load %arg9[%parallel_loop3A_214, %parallel_loop3A_215, %parallel_loop3A_216] {strides = array<i32>} : memref<5x8x512xf32, #tpu.memory_space<vmem>>, vector<16xf32>,
        tpu.vector_store %arg9[%parallel_loop3A_214, %parallel_loop3A_215, %parallel_loop3A_216], %parallel_loop3A_212 {strides = array<i32>} : memref<5x8x512xf32, #tpu.memory_space<vmem>>, vector<16xf32>,
        %parallel_loop3A_218 = arith.constant 4 : i32
        %parallel_loop3A_219 = vector.broadcast %parallel_loop3A_218 : i32 to vector<16xi32>
        %parallel_loop3A_220 = arith.addi %parallel_loop3A_181, %parallel_loop3A_219 : vector<16xi32>
        %parallel_loop3A_221 = tpu.vector_load_idx %arg5[%parallel_loop3A_220] : memref<64xf32, #tpu.memory_space<vmem>>[vector<16xi32>], vector<16xf32>,
        %parallel_loop3A_222 = arith.constant 4 : i32
        %parallel_loop3A_223 = arith.index_cast %parallel_loop3A_222 : i32 to index
        %parallel_loop3A_224 = arith.index_cast %parallel_loop3A_171 : i32 to index
        %parallel_loop3A_225 = arith.index_cast %parallel_loop3A_175 : i32 to index
        %parallel_loop3A_226 = tpu.vector_load %arg9[%parallel_loop3A_223, %parallel_loop3A_224, %parallel_loop3A_225] {strides = array<i32>} : memref<5x8x512xf32, #tpu.memory_space<vmem>>, vector<16xf32>,
        tpu.vector_store %arg9[%parallel_loop3A_223, %parallel_loop3A_224, %parallel_loop3A_225], %parallel_loop3A_221 {strides = array<i32>} : memref<5x8x512xf32, #tpu.memory_space<vmem>>, vector<16xf32>,
      } {sc.loop_unroll_factor = 4 : i64, sc.parallel_access}
      %mul3A_130 = arith.constant 8 : i32
      %mul3A_131 = arith.muli %add3A_120, %mul3A_130 : i32
      %dma_start3A_132 = arith.constant 0 : i32
      %dma_start3A_133 = tpu.memref_slice %arg4[%dma_start3A_132, %mul3A_131, %mul3A_2] : memref<5x200x16384xf32, #tpu.memory_space<hbm>> -> memref<5x8x512xf32, #tpu.memory_space<hbm>>
      %dma_start3A_134 = arith.constant 0 : i32
      %dma_start3A_135 = tpu.memref_slice %arg4[%dma_start3A_134, %mul3A_131, %mul3A_2] : memref<5x200x16384xf32, #tpu.memory_space<hbm>> -> memref<5x8x512xf32, #tpu.memory_space<hbm>>
      tpu.enqueue_dma source(%arg9 : memref<5x8x512xf32, #tpu.memory_space<vmem>>) target(%dma_start3A_135 : memref<5x8x512xf32, #tpu.memory_space<hbm>>) target_semaphore(%arg13 : memref<!tpu.dma_semaphore, #tpu.memory_space<semaphore_mem>>)
      %add3A_136 = arith.constant 2 : i32
      %add3A_137 = arith.addi %add3A_120, %add3A_136 : i32
      %lt3A = arith.constant 25 : i32
      %lt3A_138 = arith.cmpi slt, %add3A_137, %lt3A : i32
      %convert_element_type3A_139 = arith.extui %lt3A_138 : i1 to i32
      %cond3A_140 = arith.constant 0 : i32
      %cond3A_141 = arith.cmpi ne, %convert_element_type3A_139, %cond3A_140 : i32
      scf.if %cond3A_141 {
        %add3A_169 = arith.constant 2 : i32
        %add3A_170 = arith.addi %add3A_120, %add3A_169 : i32
        %mul3A_171 = arith.constant 8 : i32
        %mul3A_172 = arith.muli %add3A_170, %mul3A_171 : i32
        %dma_start3A_173 = tpu.memref_slice %arg2[%mul3A_172, %mul3A_2] : memref<200x16384xi32, #tpu.memory_space<hbm>> -> memref<8x512xi32, #tpu.memory_space<hbm>>
        %dma_start3A_174 = tpu.memref_slice %arg2[%mul3A_172, %mul3A_2] : memref<200x16384xi32, #tpu.memory_space<hbm>> -> memref<8x512xi32, #tpu.memory_space<hbm>>
        tpu.enqueue_dma source(%dma_start3A_174 : memref<8x512xi32, #tpu.memory_space<hbm>>) target(%arg7 : memref<8x512xi32, #tpu.memory_space<vmem>>) target_semaphore(%arg11 : memref<!tpu.dma_semaphore, #tpu.memory_space<semaphore_mem>>)
      } else {
      }
      %add3A_142 = arith.constant 1 : i32
      %add3A_143 = arith.addi %add3A_118, %add3A_142 : i32
      %mul3A_144 = arith.constant 8 : i32
      %mul3A_145 = arith.muli %add3A_143, %mul3A_144 : i32
      %dma_wait3A_146 = tpu.memref_slice %arg2[%mul3A_145, %mul3A_2] : memref<200x16384xi32, #tpu.memory_space<hbm>> -> memref<8x512xi32, #tpu.memory_space<hbm>>
      %dma_wait3A_147 = tpu.memref_slice %arg2[%mul3A_145, %mul3A_2] : memref<200x16384xi32, #tpu.memory_space<hbm>> -> memref<8x512xi32, #tpu.memory_space<hbm>>
      tpu.wait_dma2 semaphore(%arg12 : memref<!tpu.dma_semaphore, #tpu.memory_space<semaphore_mem>>) src(%dma_wait3A_147 : memref<8x512xi32, #tpu.memory_space<hbm>>) dst(%arg8 : memref<8x512xi32, #tpu.memory_space<vmem>>)
      %ge3A_148 = arith.constant 2 : i32
      %ge3A_149 = arith.cmpi sge, %add3A_143, %ge3A_148 : i32
      %convert_element_type3A_150 = arith.extui %ge3A_149 : i1 to i32
      %cond3A_151 = arith.constant 0 : i32
      %cond3A_152 = arith.cmpi ne, %convert_element_type3A_150, %cond3A_151 : i32
      scf.if %cond3A_152 {
        %sub3A_169 = arith.constant 2 : i32
        %sub3A_170 = arith.subi %add3A_143, %sub3A_169 : i32
        %mul3A_171 = arith.constant 8 : i32
        %mul3A_172 = arith.muli %sub3A_170, %mul3A_171 : i32
        %dma_wait3A_173 = arith.constant 0 : i32
        %dma_wait3A_174 = tpu.memref_slice %arg4[%dma_wait3A_173, %mul3A_172, %mul3A_2] : memref<5x200x16384xf32, #tpu.memory_space<hbm>> -> memref<5x8x512xf32, #tpu.memory_space<hbm>>
        %dma_wait3A_175 = arith.constant 0 : i32
        %dma_wait3A_176 = tpu.memref_slice %arg4[%dma_wait3A_175, %mul3A_172, %mul3A_2] : memref<5x200x16384xf32, #tpu.memory_space<hbm>> -> memref<5x8x512xf32, #tpu.memory_space<hbm>>
        tpu.wait_dma2 semaphore(%arg14 : memref<!tpu.dma_semaphore, #tpu.memory_space<semaphore_mem>>) src(%arg10 : memref<5x8x512xf32, #tpu.memory_space<vmem>>) dst(%dma_wait3A_176 : memref<5x8x512xf32, #tpu.memory_space<hbm>>)
      } else {
      }
      %parallel_loop3A_153 = arith.constant 0 : i32
      %parallel_loop3A_154 = arith.constant 256 : i32
      %parallel_loop3A_155 = arith.constant 1 : i32
      scf.for %parallel_loop3A_169 = %parallel_loop3A_153 to %parallel_loop3A_154 step %parallel_loop3A_155  : i32 {
        %parallel_loop3A_170 = arith.constant 5 : i32
        %parallel_loop3A_171 = arith.shrsi %parallel_loop3A_169, %parallel_loop3A_170 : i32
        %parallel_loop3A_172 = arith.constant 31 : i32
        %parallel_loop3A_173 = arith.andi %parallel_loop3A_169, %parallel_loop3A_172 : i32
        %parallel_loop3A_174 = arith.constant 16 : i32
        %parallel_loop3A_175 = arith.muli %parallel_loop3A_173, %parallel_loop3A_174 : i32
        %parallel_loop3A_176 = arith.index_cast %parallel_loop3A_171 : i32 to index
        %parallel_loop3A_177 = arith.index_cast %parallel_loop3A_175 : i32 to index
        %parallel_loop3A_178 = tpu.vector_load %arg8[%parallel_loop3A_176, %parallel_loop3A_177] {strides = array<i32>} : memref<8x512xi32, #tpu.memory_space<vmem>>, vector<16xi32>,
        %parallel_loop3A_179 = arith.constant 5 : i32
        %parallel_loop3A_180 = vector.broadcast %parallel_loop3A_179 : i32 to vector<16xi32>
        %parallel_loop3A_181 = arith.muli %parallel_loop3A_178, %parallel_loop3A_180 : vector<16xi32>
        %parallel_loop3A_182 = arith.constant 0 : i32
        %parallel_loop3A_183 = vector.broadcast %parallel_loop3A_182 : i32 to vector<16xi32>
        %parallel_loop3A_184 = arith.addi %parallel_loop3A_181, %parallel_loop3A_183 : vector<16xi32>
        %parallel_loop3A_185 = tpu.vector_load_idx %arg5[%parallel_loop3A_184] : memref<64xf32, #tpu.memory_space<vmem>>[vector<16xi32>], vector<16xf32>,
        %parallel_loop3A_186 = arith.constant 0 : i32
        %parallel_loop3A_187 = arith.index_cast %parallel_loop3A_186 : i32 to index
        %parallel_loop3A_188 = arith.index_cast %parallel_loop3A_171 : i32 to index
        %parallel_loop3A_189 = arith.index_cast %parallel_loop3A_175 : i32 to index
        %parallel_loop3A_190 = tpu.vector_load %arg10[%parallel_loop3A_187, %parallel_loop3A_188, %parallel_loop3A_189] {strides = array<i32>} : memref<5x8x512xf32, #tpu.memory_space<vmem>>, vector<16xf32>,
        tpu.vector_store %arg10[%parallel_loop3A_187, %parallel_loop3A_188, %parallel_loop3A_189], %parallel_loop3A_185 {strides = array<i32>} : memref<5x8x512xf32, #tpu.memory_space<vmem>>, vector<16xf32>,
        %parallel_loop3A_191 = arith.constant 1 : i32
        %parallel_loop3A_192 = vector.broadcast %parallel_loop3A_191 : i32 to vector<16xi32>
        %parallel_loop3A_193 = arith.addi %parallel_loop3A_181, %parallel_loop3A_192 : vector<16xi32>
        %parallel_loop3A_194 = tpu.vector_load_idx %arg5[%parallel_loop3A_193] : memref<64xf32, #tpu.memory_space<vmem>>[vector<16xi32>], vector<16xf32>,
        %parallel_loop3A_195 = arith.constant 1 : i32
        %parallel_loop3A_196 = arith.index_cast %parallel_loop3A_195 : i32 to index
        %parallel_loop3A_197 = arith.index_cast %parallel_loop3A_171 : i32 to index
        %parallel_loop3A_198 = arith.index_cast %parallel_loop3A_175 : i32 to index
        %parallel_loop3A_199 = tpu.vector_load %arg10[%parallel_loop3A_196, %parallel_loop3A_197, %parallel_loop3A_198] {strides = array<i32>} : memref<5x8x512xf32, #tpu.memory_space<vmem>>, vector<16xf32>,
        tpu.vector_store %arg10[%parallel_loop3A_196, %parallel_loop3A_197, %parallel_loop3A_198], %parallel_loop3A_194 {strides = array<i32>} : memref<5x8x512xf32, #tpu.memory_space<vmem>>, vector<16xf32>,
        %parallel_loop3A_200 = arith.constant 2 : i32
        %parallel_loop3A_201 = vector.broadcast %parallel_loop3A_200 : i32 to vector<16xi32>
        %parallel_loop3A_202 = arith.addi %parallel_loop3A_181, %parallel_loop3A_201 : vector<16xi32>
        %parallel_loop3A_203 = tpu.vector_load_idx %arg5[%parallel_loop3A_202] : memref<64xf32, #tpu.memory_space<vmem>>[vector<16xi32>], vector<16xf32>,
        %parallel_loop3A_204 = arith.constant 2 : i32
        %parallel_loop3A_205 = arith.index_cast %parallel_loop3A_204 : i32 to index
        %parallel_loop3A_206 = arith.index_cast %parallel_loop3A_171 : i32 to index
        %parallel_loop3A_207 = arith.index_cast %parallel_loop3A_175 : i32 to index
        %parallel_loop3A_208 = tpu.vector_load %arg10[%parallel_loop3A_205, %parallel_loop3A_206, %parallel_loop3A_207] {strides = array<i32>} : memref<5x8x512xf32, #tpu.memory_space<vmem>>, vector<16xf32>,
        tpu.vector_store %arg10[%parallel_loop3A_205, %parallel_loop3A_206, %parallel_loop3A_207], %parallel_loop3A_203 {strides = array<i32>} : memref<5x8x512xf32, #tpu.memory_space<vmem>>, vector<16xf32>,
        %parallel_loop3A_209 = arith.constant 3 : i32
        %parallel_loop3A_210 = vector.broadcast %parallel_loop3A_209 : i32 to vector<16xi32>
        %parallel_loop3A_211 = arith.addi %parallel_loop3A_181, %parallel_loop3A_210 : vector<16xi32>
        %parallel_loop3A_212 = tpu.vector_load_idx %arg5[%parallel_loop3A_211] : memref<64xf32, #tpu.memory_space<vmem>>[vector<16xi32>], vector<16xf32>,
        %parallel_loop3A_213 = arith.constant 3 : i32
        %parallel_loop3A_214 = arith.index_cast %parallel_loop3A_213 : i32 to index
        %parallel_loop3A_215 = arith.index_cast %parallel_loop3A_171 : i32 to index
        %parallel_loop3A_216 = arith.index_cast %parallel_loop3A_175 : i32 to index
        %parallel_loop3A_217 = tpu.vector_load %arg10[%parallel_loop3A_214, %parallel_loop3A_215, %parallel_loop3A_216] {strides = array<i32>} : memref<5x8x512xf32, #tpu.memory_space<vmem>>, vector<16xf32>,
        tpu.vector_store %arg10[%parallel_loop3A_214, %parallel_loop3A_215, %parallel_loop3A_216], %parallel_loop3A_212 {strides = array<i32>} : memref<5x8x512xf32, #tpu.memory_space<vmem>>, vector<16xf32>,
        %parallel_loop3A_218 = arith.constant 4 : i32
        %parallel_loop3A_219 = vector.broadcast %parallel_loop3A_218 : i32 to vector<16xi32>
        %parallel_loop3A_220 = arith.addi %parallel_loop3A_181, %parallel_loop3A_219 : vector<16xi32>
        %parallel_loop3A_221 = tpu.vector_load_idx %arg5[%parallel_loop3A_220] : memref<64xf32, #tpu.memory_space<vmem>>[vector<16xi32>], vector<16xf32>,
        %parallel_loop3A_222 = arith.constant 4 : i32
        %parallel_loop3A_223 = arith.index_cast %parallel_loop3A_222 : i32 to index
        %parallel_loop3A_224 = arith.index_cast %parallel_loop3A_171 : i32 to index
        %parallel_loop3A_225 = arith.index_cast %parallel_loop3A_175 : i32 to index
        %parallel_loop3A_226 = tpu.vector_load %arg10[%parallel_loop3A_223, %parallel_loop3A_224, %parallel_loop3A_225] {strides = array<i32>} : memref<5x8x512xf32, #tpu.memory_space<vmem>>, vector<16xf32>,
        tpu.vector_store %arg10[%parallel_loop3A_223, %parallel_loop3A_224, %parallel_loop3A_225], %parallel_loop3A_221 {strides = array<i32>} : memref<5x8x512xf32, #tpu.memory_space<vmem>>, vector<16xf32>,
      } {sc.loop_unroll_factor = 4 : i64, sc.parallel_access}
      %mul3A_156 = arith.constant 8 : i32
      %mul3A_157 = arith.muli %add3A_143, %mul3A_156 : i32
      %dma_start3A_158 = arith.constant 0 : i32
      %dma_start3A_159 = tpu.memref_slice %arg4[%dma_start3A_158, %mul3A_157, %mul3A_2] : memref<5x200x16384xf32, #tpu.memory_space<hbm>> -> memref<5x8x512xf32, #tpu.memory_space<hbm>>
      %dma_start3A_160 = arith.constant 0 : i32
      %dma_start3A_161 = tpu.memref_slice %arg4[%dma_start3A_160, %mul3A_157, %mul3A_2] : memref<5x200x16384xf32, #tpu.memory_space<hbm>> -> memref<5x8x512xf32, #tpu.memory_space<hbm>>
      tpu.enqueue_dma source(%arg10 : memref<5x8x512xf32, #tpu.memory_space<vmem>>) target(%dma_start3A_161 : memref<5x8x512xf32, #tpu.memory_space<hbm>>) target_semaphore(%arg14 : memref<!tpu.dma_semaphore, #tpu.memory_space<semaphore_mem>>)
      %add3A_162 = arith.constant 2 : i32
      %add3A_163 = arith.addi %add3A_143, %add3A_162 : i32
      %lt3A_164 = arith.constant 25 : i32
      %lt3A_165 = arith.cmpi slt, %add3A_163, %lt3A_164 : i32
      %convert_element_type3A_166 = arith.extui %lt3A_165 : i1 to i32
      %cond3A_167 = arith.constant 0 : i32
      %cond3A_168 = arith.cmpi ne, %convert_element_type3A_166, %cond3A_167 : i32
      scf.if %cond3A_168 {
        %add3A_169 = arith.constant 2 : i32
        %add3A_170 = arith.addi %add3A_143, %add3A_169 : i32
        %mul3A_171 = arith.constant 8 : i32
        %mul3A_172 = arith.muli %add3A_170, %mul3A_171 : i32
        %dma_start3A_173 = tpu.memref_slice %arg2[%mul3A_172, %mul3A_2] : memref<200x16384xi32, #tpu.memory_space<hbm>> -> memref<8x512xi32, #tpu.memory_space<hbm>>
        %dma_start3A_174 = tpu.memref_slice %arg2[%mul3A_172, %mul3A_2] : memref<200x16384xi32, #tpu.memory_space<hbm>> -> memref<8x512xi32, #tpu.memory_space<hbm>>
        tpu.enqueue_dma source(%dma_start3A_174 : memref<8x512xi32, #tpu.memory_space<hbm>>) target(%arg8 : memref<8x512xi32, #tpu.memory_space<vmem>>) target_semaphore(%arg12 : memref<!tpu.dma_semaphore, #tpu.memory_space<semaphore_mem>>)
      } else {
      }
    }
    %scan3A_84 = arith.constant 12 : i32
    %dma_wait3A = arith.constant 192 : i32
    %dma_wait3A_85 = tpu.memref_slice %arg2[%dma_wait3A, %mul3A_2] : memref<200x16384xi32, #tpu.memory_space<hbm>> -> memref<8x512xi32, #tpu.memory_space<hbm>>
    %dma_wait3A_86 = arith.constant 192 : i32
    %dma_wait3A_87 = tpu.memref_slice %arg2[%dma_wait3A_86, %mul3A_2] : memref<200x16384xi32, #tpu.memory_space<hbm>> -> memref<8x512xi32, #tpu.memory_space<hbm>>
    tpu.wait_dma2 semaphore(%arg11 : memref<!tpu.dma_semaphore, #tpu.memory_space<semaphore_mem>>) src(%dma_wait3A_87 : memref<8x512xi32, #tpu.memory_space<hbm>>) dst(%arg7 : memref<8x512xi32, #tpu.memory_space<vmem>>)
    %dma_wait3A_88 = arith.constant 0 : i32
    %dma_wait3A_89 = arith.constant 176 : i32
    %dma_wait3A_90 = tpu.memref_slice %arg4[%dma_wait3A_88, %dma_wait3A_89, %mul3A_2] : memref<5x200x16384xf32, #tpu.memory_space<hbm>> -> memref<5x8x512xf32, #tpu.memory_space<hbm>>
    %dma_wait3A_91 = arith.constant 0 : i32
    %dma_wait3A_92 = arith.constant 176 : i32
    %dma_wait3A_93 = tpu.memref_slice %arg4[%dma_wait3A_91, %dma_wait3A_92, %mul3A_2] : memref<5x200x16384xf32, #tpu.memory_space<hbm>> -> memref<5x8x512xf32, #tpu.memory_space<hbm>>
    tpu.wait_dma2 semaphore(%arg13 : memref<!tpu.dma_semaphore, #tpu.memory_space<semaphore_mem>>) src(%arg9 : memref<5x8x512xf32, #tpu.memory_space<vmem>>) dst(%dma_wait3A_93 : memref<5x8x512xf32, #tpu.memory_space<hbm>>)
    %parallel_loop3A = arith.constant 0 : i32
    %parallel_loop3A_94 = arith.constant 256 : i32
    %parallel_loop3A_95 = arith.constant 1 : i32
    scf.for %parallel_loop3A_114 = %parallel_loop3A to %parallel_loop3A_94 step %parallel_loop3A_95  : i32 {
      %parallel_loop3A_115 = arith.constant 5 : i32
      %parallel_loop3A_116 = arith.shrsi %parallel_loop3A_114, %parallel_loop3A_115 : i32
      %parallel_loop3A_117 = arith.constant 31 : i32
      %parallel_loop3A_118 = arith.andi %parallel_loop3A_114, %parallel_loop3A_117 : i32
      %parallel_loop3A_119 = arith.constant 16 : i32
      %parallel_loop3A_120 = arith.muli %parallel_loop3A_118, %parallel_loop3A_119 : i32
      %parallel_loop3A_121 = arith.index_cast %parallel_loop3A_116 : i32 to index
      %parallel_loop3A_122 = arith.index_cast %parallel_loop3A_120 : i32 to index
      %parallel_loop3A_123 = tpu.vector_load %arg7[%parallel_loop3A_121, %parallel_loop3A_122] {strides = array<i32>} : memref<8x512xi32, #tpu.memory_space<vmem>>, vector<16xi32>,
      %parallel_loop3A_124 = arith.constant 5 : i32
      %parallel_loop3A_125 = vector.broadcast %parallel_loop3A_124 : i32 to vector<16xi32>
      %parallel_loop3A_126 = arith.muli %parallel_loop3A_123, %parallel_loop3A_125 : vector<16xi32>
      %parallel_loop3A_127 = arith.constant 0 : i32
      %parallel_loop3A_128 = vector.broadcast %parallel_loop3A_127 : i32 to vector<16xi32>
      %parallel_loop3A_129 = arith.addi %parallel_loop3A_126, %parallel_loop3A_128 : vector<16xi32>
      %parallel_loop3A_130 = tpu.vector_load_idx %arg5[%parallel_loop3A_129] : memref<64xf32, #tpu.memory_space<vmem>>[vector<16xi32>], vector<16xf32>,
      %parallel_loop3A_131 = arith.constant 0 : i32
      %parallel_loop3A_132 = arith.index_cast %parallel_loop3A_131 : i32 to index
      %parallel_loop3A_133 = arith.index_cast %parallel_loop3A_116 : i32 to index
      %parallel_loop3A_134 = arith.index_cast %parallel_loop3A_120 : i32 to index
      %parallel_loop3A_135 = tpu.vector_load %arg9[%parallel_loop3A_132, %parallel_loop3A_133, %parallel_loop3A_134] {strides = array<i32>} : memref<5x8x512xf32, #tpu.memory_space<vmem>>, vector<16xf32>,
      tpu.vector_store %arg9[%parallel_loop3A_132, %parallel_loop3A_133, %parallel_loop3A_134], %parallel_loop3A_130 {strides = array<i32>} : memref<5x8x512xf32, #tpu.memory_space<vmem>>, vector<16xf32>,
      %parallel_loop3A_136 = arith.constant 1 : i32
      %parallel_loop3A_137 = vector.broadcast %parallel_loop3A_136 : i32 to vector<16xi32>
      %parallel_loop3A_138 = arith.addi %parallel_loop3A_126, %parallel_loop3A_137 : vector<16xi32>
      %parallel_loop3A_139 = tpu.vector_load_idx %arg5[%parallel_loop3A_138] : memref<64xf32, #tpu.memory_space<vmem>>[vector<16xi32>], vector<16xf32>,
      %parallel_loop3A_140 = arith.constant 1 : i32
      %parallel_loop3A_141 = arith.index_cast %parallel_loop3A_140 : i32 to index
      %parallel_loop3A_142 = arith.index_cast %parallel_loop3A_116 : i32 to index
      %parallel_loop3A_143 = arith.index_cast %parallel_loop3A_120 : i32 to index
      %parallel_loop3A_144 = tpu.vector_load %arg9[%parallel_loop3A_141, %parallel_loop3A_142, %parallel_loop3A_143] {strides = array<i32>} : memref<5x8x512xf32, #tpu.memory_space<vmem>>, vector<16xf32>,
      tpu.vector_store %arg9[%parallel_loop3A_141, %parallel_loop3A_142, %parallel_loop3A_143], %parallel_loop3A_139 {strides = array<i32>} : memref<5x8x512xf32, #tpu.memory_space<vmem>>, vector<16xf32>,
      %parallel_loop3A_145 = arith.constant 2 : i32
      %parallel_loop3A_146 = vector.broadcast %parallel_loop3A_145 : i32 to vector<16xi32>
      %parallel_loop3A_147 = arith.addi %parallel_loop3A_126, %parallel_loop3A_146 : vector<16xi32>
      %parallel_loop3A_148 = tpu.vector_load_idx %arg5[%parallel_loop3A_147] : memref<64xf32, #tpu.memory_space<vmem>>[vector<16xi32>], vector<16xf32>,
      %parallel_loop3A_149 = arith.constant 2 : i32
      %parallel_loop3A_150 = arith.index_cast %parallel_loop3A_149 : i32 to index
      %parallel_loop3A_151 = arith.index_cast %parallel_loop3A_116 : i32 to index
      %parallel_loop3A_152 = arith.index_cast %parallel_loop3A_120 : i32 to index
      %parallel_loop3A_153 = tpu.vector_load %arg9[%parallel_loop3A_150, %parallel_loop3A_151, %parallel_loop3A_152] {strides = array<i32>} : memref<5x8x512xf32, #tpu.memory_space<vmem>>, vector<16xf32>,
      tpu.vector_store %arg9[%parallel_loop3A_150, %parallel_loop3A_151, %parallel_loop3A_152], %parallel_loop3A_148 {strides = array<i32>} : memref<5x8x512xf32, #tpu.memory_space<vmem>>, vector<16xf32>,
      %parallel_loop3A_154 = arith.constant 3 : i32
      %parallel_loop3A_155 = vector.broadcast %parallel_loop3A_154 : i32 to vector<16xi32>
      %parallel_loop3A_156 = arith.addi %parallel_loop3A_126, %parallel_loop3A_155 : vector<16xi32>
      %parallel_loop3A_157 = tpu.vector_load_idx %arg5[%parallel_loop3A_156] : memref<64xf32, #tpu.memory_space<vmem>>[vector<16xi32>], vector<16xf32>,
      %parallel_loop3A_158 = arith.constant 3 : i32
      %parallel_loop3A_159 = arith.index_cast %parallel_loop3A_158 : i32 to index
      %parallel_loop3A_160 = arith.index_cast %parallel_loop3A_116 : i32 to index
      %parallel_loop3A_161 = arith.index_cast %parallel_loop3A_120 : i32 to index
      %parallel_loop3A_162 = tpu.vector_load %arg9[%parallel_loop3A_159, %parallel_loop3A_160, %parallel_loop3A_161] {strides = array<i32>} : memref<5x8x512xf32, #tpu.memory_space<vmem>>, vector<16xf32>,
      tpu.vector_store %arg9[%parallel_loop3A_159, %parallel_loop3A_160, %parallel_loop3A_161], %parallel_loop3A_157 {strides = array<i32>} : memref<5x8x512xf32, #tpu.memory_space<vmem>>, vector<16xf32>,
      %parallel_loop3A_163 = arith.constant 4 : i32
      %parallel_loop3A_164 = vector.broadcast %parallel_loop3A_163 : i32 to vector<16xi32>
      %parallel_loop3A_165 = arith.addi %parallel_loop3A_126, %parallel_loop3A_164 : vector<16xi32>
      %parallel_loop3A_166 = tpu.vector_load_idx %arg5[%parallel_loop3A_165] : memref<64xf32, #tpu.memory_space<vmem>>[vector<16xi32>], vector<16xf32>,
      %parallel_loop3A_167 = arith.constant 4 : i32
      %parallel_loop3A_168 = arith.index_cast %parallel_loop3A_167 : i32 to index
      %parallel_loop3A_169 = arith.index_cast %parallel_loop3A_116 : i32 to index
      %parallel_loop3A_170 = arith.index_cast %parallel_loop3A_120 : i32 to index
      %parallel_loop3A_171 = tpu.vector_load %arg9[%parallel_loop3A_168, %parallel_loop3A_169, %parallel_loop3A_170] {strides = array<i32>} : memref<5x8x512xf32, #tpu.memory_space<vmem>>, vector<16xf32>,
      tpu.vector_store %arg9[%parallel_loop3A_168, %parallel_loop3A_169, %parallel_loop3A_170], %parallel_loop3A_166 {strides = array<i32>} : memref<5x8x512xf32, #tpu.memory_space<vmem>>, vector<16xf32>,
    } {sc.loop_unroll_factor = 4 : i64, sc.parallel_access}
    %dma_start3A_96 = arith.constant 0 : i32
    %dma_start3A_97 = arith.constant 192 : i32
    %dma_start3A_98 = tpu.memref_slice %arg4[%dma_start3A_96, %dma_start3A_97, %mul3A_2] : memref<5x200x16384xf32, #tpu.memory_space<hbm>> -> memref<5x8x512xf32, #tpu.memory_space<hbm>>
    %dma_start3A_99 = arith.constant 0 : i32
    %dma_start3A_100 = arith.constant 192 : i32
    %dma_start3A_101 = tpu.memref_slice %arg4[%dma_start3A_99, %dma_start3A_100, %mul3A_2] : memref<5x200x16384xf32, #tpu.memory_space<hbm>> -> memref<5x8x512xf32, #tpu.memory_space<hbm>>
    tpu.enqueue_dma source(%arg9 : memref<5x8x512xf32, #tpu.memory_space<vmem>>) target(%dma_start3A_101 : memref<5x8x512xf32, #tpu.memory_space<hbm>>) target_semaphore(%arg13 : memref<!tpu.dma_semaphore, #tpu.memory_space<semaphore_mem>>)
    %dma_wait3A_102 = arith.constant 0 : i32
    %dma_wait3A_103 = arith.constant 184 : i32
    %dma_wait3A_104 = tpu.memref_slice %arg4[%dma_wait3A_102, %dma_wait3A_103, %mul3A_2] : memref<5x200x16384xf32, #tpu.memory_space<hbm>> -> memref<5x8x512xf32, #tpu.memory_space<hbm>>
    %dma_wait3A_105 = arith.constant 0 : i32
    %dma_wait3A_106 = arith.constant 184 : i32
    %dma_wait3A_107 = tpu.memref_slice %arg4[%dma_wait3A_105, %dma_wait3A_106, %mul3A_2] : memref<5x200x16384xf32, #tpu.memory_space<hbm>> -> memref<5x8x512xf32, #tpu.memory_space<hbm>>
    tpu.wait_dma2 semaphore(%arg14 : memref<!tpu.dma_semaphore, #tpu.memory_space<semaphore_mem>>) src(%arg10 : memref<5x8x512xf32, #tpu.memory_space<vmem>>) dst(%dma_wait3A_107 : memref<5x8x512xf32, #tpu.memory_space<hbm>>)
    %dma_wait3A_108 = arith.constant 0 : i32
    %dma_wait3A_109 = arith.constant 192 : i32
    %dma_wait3A_110 = tpu.memref_slice %arg4[%dma_wait3A_108, %dma_wait3A_109, %mul3A_2] : memref<5x200x16384xf32, #tpu.memory_space<hbm>> -> memref<5x8x512xf32, #tpu.memory_space<hbm>>
    %dma_wait3A_111 = arith.constant 0 : i32
    %dma_wait3A_112 = arith.constant 192 : i32
    %dma_wait3A_113 = tpu.memref_slice %arg4[%dma_wait3A_111, %dma_wait3A_112, %mul3A_2] : memref<5x200x16384xf32, #tpu.memory_space<hbm>> -> memref<5x8x512xf32, #tpu.memory_space<hbm>>
    tpu.wait_dma2 semaphore(%arg13 : memref<!tpu.dma_semaphore, #tpu.memory_space<semaphore_mem>>) src(%arg9 : memref<5x8x512xf32, #tpu.memory_space<vmem>>) dst(%dma_wait3A_113 : memref<5x8x512xf32, #tpu.memory_space<hbm>>)
    return
  }
}

</mosaic_0001>

<sc_bundles>
// kernel: _lookup.3.cloned.1.call-start
scs
__scs_entry_jumppad:
0x0: {  	(pc) =	sbr.rel $0x88, $3  }
0x1: {  	(tag) =	ssettag $0x0;
	lr =	simm.s32 $0x1  }
0x2: {  	[smem:$0x3F9F] =	sst lr;
	_ =	strace $0xD0000000  }
0x3: {  	_ = 	snop  }
0x4: {  	_ = 	snop  }
0x5: {  	_ = 	snop  }
0x6: {  	_ = 	snop  }
0x7: {  	_ = 	snop  }
__scs_overlays_trampoline_lowered:
0x8: {  	[smem:$0x3FAE] =	sst s0  }
0x9: {  	[smem:$0x3FAF] =	sst s1  }
0xa: {  	[smem:$0x3FB0] =	sst s2  }
0xb: {  	[smem:$0x3FB1] =	sst s3  }
0xc: {  	[smem:$0x3FB2] =	sst s4  }
0xd: {  	[smem:$0x3FB3] =	sst s5  }
0xe: {  	[smem:$0x3FB4] =	sst s6  }
0xf: {  	[smem:$0x3FB5] =	sst s7  }
0x10: {  	[smem:$0x3FB6] =	sst s8  }
0x11: {  	[smem:$0x3FB7] =	sst s9;
	s0 =	simm.s32 @!p0 $0x0  }
0x12: {  	s1 =	sld [smem:$0x3F9D];
	s0 =	simm.s32 @p0 $0x1  }
0x13: {  	[smem:$0x3FB8] =	sst s0;
	s0 =	simm.s32 @!p1 $0x0  }
0x14: {  	s2 =	sld [smem:$0x3F9C];
	s0 =	simm.s32 @p1 $0x1  }
0x15: {  	[smem:$0x3FB9] =	sst s0;
	s0 =	simm.s32 @!p2 $0x0  }
0x16: {  	s3 =	sld [smem:$0x3FDB];
	s0 =	simm.s32 @p2 $0x1  }
0x17: {  	s4 =	simm.s32 $0x1BF5;
	[smem:$0x3FBB] =	sst s0  }
0x18: {  	s0 =	sld [smem:$0x3F9E];
	_ =	swait.ge [sflag:s4], $0x0  }
0x19: {  	s7 =	sld [smem:$0x3F9F]  }
0x1a: {  	s8 =	sadd.s32 $0xFFFFE003, lr  }
0x1b: {  	s9 =	sadd.s32 $0xFFFFFEF7, lr;
	s5 =	simm.s32 $0xFFFFFFFF;
	p2 =	slt.u32 s8, $0xFFFFF086  }
0x1c: {  	p1 =	slt.u32 s9, $0xF7A;
	s5 =	simm.s32 @!p2 $0x0  }
0x1d: {  	s5 =	simm.s32 @p1 $0x1;
	p0 =	seq.s32 s7, s2  }
0x1e: {  	s7 =	smul.u32 @!p0 $0xF7A, s2;
	p2 =	seq.s32 @!p0 s5, $0x0  }
0x1f: {  	s9 =	smul.u32 $0xF7A, s1;
	s8 =	simm.s32 @!p0 $0x1BF5;
	p2 =	por !p2, p0  }
0x20: {  	[sflag:s8] =	ssyncset.s32 @!p0 $0xFFFFF086;
	s6 =	sadd.s32 @!p0 s3, s7;
	s7 =	simm.s32 @!p0 $0x108  }
0x21: {  	s3 =	sadd.s32 s3, s9;
	s6 =	sadd.s32 @!p0 $0x88, s6;
	s7 =	simm.s32 @p2 $0x1082  }
0x22: {  	[simem:s7], [sflag:s8] =	dma.local @!p0 [hbm:s6], $0xF7A  }
0x23: {  	s9 =	sor.u32 $0xD0000000, s2;
	s6 =	simm.s32 $0x108;
	_ =	swait.ge @!p0 [sflag:s8], $0x0  }
0x24: {  	s3 =	sadd.s32 $0x88, s3;
	s6 =	simm.s32 @!p1 $0x1082;
	[sflag:s4] =	ssyncset.s32 $0xFFFFF086  }
0x25: {  	[simem:s6], [sflag:s4] =	dma.local [hbm:s3], $0xF7A  }
0x26: {  	[smem:$0x3F9F] =	sst s1;
	(tag) =	ssettag s2;
	_ =	strace s9  }
0x27: {  	s1 =	sld [smem:$0x3FAF]  }
0x28: {  	s2 =	sld [smem:$0x3FB0]  }
0x29: {  	s4 =	sld [smem:$0x3FB2]  }
0x2a: {  	p0 =	seq.s32 s5, $0x0;
	s5 =	sld [smem:$0x3FB3]  }
0x2b: {  	s6 =	sld [smem:$0x3FB4]  }
0x2c: {  	s7 =	sld [smem:$0x3FB5]  }
0x2d: {  	s3 =	simm.s32 $0x108;
	s8 =	sld [smem:$0x3FB6]  }
0x2e: {  	s3 =	simm.s32 @!p0 $0x1082;
	s9 =	sld [smem:$0x3FB7]  }
0x2f: {  	lr =	sadd.s32 s0, s3;
	s0 =	sld [smem:$0x3FAE]  }
0x30: {  	s3 =	sld [smem:$0x3FB1]  }
0x31: {  	[smem:$0x3FBA] =	sst s10  }
0x32: {  	s10 =	sld [smem:$0x3FB8];
	_ =	sdelay $0x3  }
0x33: {  	p0 =	seq.s32 s10, $0x1;
	s10 =	sld [smem:$0x3FBA];
	_ =	sdelay $0x3  }
0x34: {  	[smem:$0x3FBA] =	sst s10  }
0x35: {  	s10 =	sld [smem:$0x3FB9];
	_ =	sdelay $0x3  }
0x36: {  	p1 =	seq.s32 s10, $0x1;
	s10 =	sld [smem:$0x3FBA];
	_ =	sdelay $0x3  }
0x37: {  	[smem:$0x3FBA] =	sst s10  }
0x38: {  	s10 =	sld [smem:$0x3FBB]  }
0x39: {  	_ = 	snop;
	(pc) =	sbr.ind lr, $3  }
0x3a: {  	_ = 	snop  }
0x3b: {  	_ = 	snop  }
0x3c: {  	p2 =	seq.s32 s10, $0x1;
	s10 =	sld [smem:$0x3FBA]  }
0x3d: {  	_ =	shalt  }
0x3e: {  	_ =	shalt  }
0x3f: {  	_ =	shalt  }
0x40: {  	_ =	shalt  }
0x41: {  	_ =	shalt  }
0x42: {  	_ =	shalt  }
0x43: {  	_ =	shalt  }
0x44: {  	_ =	shalt  }
0x45: {  	_ =	shalt  }
0x46: {  	_ =	shalt  }
0x47: {  	_ =	shalt  }
0x48: {  	_ =	shalt  }
0x49: {  	_ =	shalt  }
0x4a: {  	_ =	shalt  }
0x4b: {  	_ =	shalt  }
0x4c: {  	_ =	shalt  }
0x4d: {  	_ =	shalt  }
0x4e: {  	_ =	shalt  }
0x4f: {  	_ =	shalt  }
0x50: {  	_ =	shalt  }
0x51: {  	_ =	shalt  }
0x52: {  	_ =	shalt  }
0x53: {  	_ =	shalt  }
0x54: {  	_ =	shalt  }
0x55: {  	_ =	shalt  }
0x56: {  	_ =	shalt  }
0x57: {  	_ =	shalt  }
0x58: {  	_ =	shalt  }
0x59: {  	_ =	shalt  }
0x5a: {  	_ =	shalt  }
0x5b: {  	_ =	shalt  }
0x5c: {  	_ =	shalt  }
0x5d: {  	_ =	shalt  }
0x5e: {  	_ =	shalt  }
0x5f: {  	_ =	shalt  }
0x60: {  	_ =	shalt  }
0x61: {  	_ =	shalt  }
0x62: {  	_ =	shalt  }
0x63: {  	_ =	shalt  }
0x64: {  	_ =	shalt  }
0x65: {  	_ =	shalt  }
0x66: {  	_ =	shalt  }
0x67: {  	_ =	shalt  }
0x68: {  	_ =	shalt  }
0x69: {  	_ =	shalt  }
0x6a: {  	_ =	shalt  }
0x6b: {  	_ =	shalt  }
0x6c: {  	_ =	shalt  }
0x6d: {  	_ =	shalt  }
0x6e: {  	_ =	shalt  }
0x6f: {  	_ =	shalt  }
0x70: {  	_ =	shalt  }
0x71: {  	_ =	shalt  }
0x72: {  	_ =	shalt  }
0x73: {  	_ =	shalt  }
0x74: {  	_ =	shalt  }
0x75: {  	_ =	shalt  }
0x76: {  	_ =	shalt  }
0x77: {  	_ =	shalt  }
0x78: {  	_ =	shalt  }
0x79: {  	_ =	shalt  }
0x7a: {  	_ =	shalt  }
0x7b: {  	_ =	shalt  }
0x7c: {  	_ =	shalt  }
0x7d: {  	_ =	shalt  }
0x7e: {  	_ =	shalt  }
0x7f: {  	_ =	shalt  }
0x80: {  	_ =	shalt  }
0x81: {  	_ =	shalt  }
0x82: {  	_ =	shalt  }
0x83: {  	_ =	shalt  }
0x84: {  	_ =	shalt  }
0x85: {  	_ =	shalt  }
0x86: {  	_ =	shalt  }
0x87: {  	_ =	shalt  }
.Lfunc_end0:
.L_simem_size_0:
called_computation_lowered:
.L_overlay_start_0:
0x88: {  	s2 =	sld [smem:$0x3FD9]  }
0x89: {  	s3 =	sld [smem:$0x3FFE];
	_ =	sdelay $0x1  }
0x8a: {  	s1 =	srdreg.scid  }
0x8b: {  	s0 =	sand.u32 $0x1, s1  }
0x8c: {  	s18 =	sshll.u32 s0, $0xA;
	s2 =	sadd.s32 s3, s2  }
0x8d: {  	s2 =	sadd.s32 s2, s18  }
0x8e: {  	[smem:$0x3FC6] =	sst s2  }
0x8f: {  	_ = 	snop  }
0x90: {  	s2 =	sld [smem:$0x3FC9]  }
0x91: {  	s19 =	sld [smem:$0x3FC8]  }
0x92: {  	s4 =	sld [smem:$0x3FD0];
	(tm) =	ssettm $0x1  }
0x93: {  	s5 =	sld [smem:$0x3FFB];
	_ =	sdelay $0x3  }
0x94: {  	_ =	strace s5  }
0x95: {  	s5 =	sld [smem:$0x3FFC];
	_ =	sdelay $0x3  }
0x96: {  	_ =	strace s5  }
0x97: {  	s5 =	sld [smem:$0x3FFD];
	_ =	sdelay $0x3  }
0x98: {  	_ =	strace s5  }
0x99: {  	_ =	strace $0x8FFFFFFF  }
0x9a: {  	s20 =	sld [smem:$0x3FDB];
	_ =	sdelay $0x1  }
0x9b: {  	s6 =	simm.s32 $_scs_section_size  }
0x9c: {  	s7 =	simm.s32 $_size__tile_overlayer_lowered;
	s8 =	simm.s32 $_tile_overlayer_lowered  }
0x9d: {  	s23 =	simm.s32 $0x1BFF;
	s22 =	sshll.u32 s8, $0x1;
	s5 =	sadd.s32 s6, s20  }
0x9e: {  	s9 =	simm.s32 $0x0;
	s21 =	sshll.u32 s7, $0x1;
	s7 =	sadd.s32 s22, s5  }
0x9f: {  	[timem:s9], [sflag:s23] =	dma.local [hbm:s7], s21  }
0xa0: {  	_ =	swait.ge [sflag:s23], s21  }
0xa1: {  	s6 =	ssub.s32 $0x0, s21;
	[sflag:s23] =	ssyncset.done $0x0  }
0xa2: {  	[sflag:s23] =	ssyncadd.s32 s6;
	_ =	sdelay $0x1  }
0xa3: {  	s24 =	simm.s32 $0x1B8B  }
0xa4: {  	_ =	swait.ge [sflag:s24], $0x1  }
0xa5: {  	[sflag:s24] =	ssyncset.done $0x0  }
0xa6: {  	s25 =	simm.s32 $0x1B8E;
	[sflag:s24] =	ssyncadd.s32 $0xFFFFFFFF  }
0xa7: {  	s26 =	simm.s32 $execute0_lowered;
	[smem:$0x3FD2] =	sst s25  }
0xa8: {  	s6 =	sshll.u32 s26, $0x1;
	_ =	strace $0x80000046;
	[dreg:$0x1] =	wrdreg $0xFFFFFFFF  }
0xa9: {  	s28 =	simm.s32 $_size_execute0_lowered;
	s5 =	sadd.s32 s5, s6;
	[dreg:$0x0] =	wrdreg $0x0  }
0xaa: {  	s6 =	sshll.u32 s28, $0x1;
	[dreg:$0x2] =	wrdreg s5  }
0xab: {  	[dreg:$0x3] =	wrdreg s6  }
0xac: {  	[dreg:$0x4] =	wrdreg $0xC0  }
0xad: {  	_ =	task [dreg:s9], $0x5FFFF  }
0xae: {  	[dreg:$0x1] =	wrdreg $0xFFFFFFFF  }
0xaf: {  	[dreg:$0x0] =	wrdreg $0x60  }
0xb0: {  	[dreg:$0x2] =	wrdreg s2  }
0xb1: {  	[dreg:$0x3] =	wrdreg s19  }
0xb2: {  	[dreg:$0x4] =	wrdreg s4  }
0xb3: {  	[dreg:$0x5] =	wrdreg $0x9  }
0xb4: {  	_ =	task.clear_ibuf [dreg:s9], $0x6FFFF;
	_ =	strace $0x90000046  }
0xb5: {  	s29 =	simm.s32 $0x9;
	_ =	strace $0x80000048  }
0xb6: {  	_ =	swait.ge [sflag:s29], $0x1  }
0xb7: {  	[sflag:s29] =	ssyncadd.s32 $0xFFFFFFFF  }
0xb8: {  	_ =	strace $0x90000048  }
0xb9: {  	_ =	sfence  }
0xba: {  	s30 =	sld [smem:$0x0];
	_ =	sdelay $0x2  }
0xbb: {  	s31 =	sshll.u32 s1, $0xD;
	s1 =	sshrl.u32 s1, $0x2  }
0xbc: {  	s3 =	sand.u32 $0x4000, s31;
	s1 =	sadd.s32 s1, s30  }
0xbd: {  	s0 =	sor.u32 s3, s0;
	s1 =	sshll.u32 s1, $0x11  }
0xbe: {  	s0 =	sor.u32 s1, s0  }
0xbf: {  	s0 =	sadd.s32 $0x8F2B, s0  }
0xc0: {  	[sflag:s0] =	ssyncadd.remote.s32 $0x1  }
0xc1: {  	_ =	sfence.sel $0xFFFF  }
0xc2: {  	[dreg:$0x0] =	wrdreg $0xFFFFFFFF;
	(pc) =	sbr.abs _section_cstart, $3  }
0xc3: {  	[dreg:$0x1] =	wrdreg $0xFFFFFFFF  }
0xc4: {  	_ =	task.clear_ibuf [dreg:s9], $0x2FFFF;
	_ =	strace $0x9FFFFFFF  }
0xc5: {  	(tm) =	ssettm $0x7FFFFFFF  }
tec
execute0_lowered:
.L_overlay_start_1:
0x0: {  	(tag) =	ssettag $0x1  }
0x1: {  	v0 =	vimm.s32 $0x3  }
0x2: {  	vm14 =	vcmask $0x300;
	vm13 =	vcmask $0x704;
	vm12 =	vcmask $0xB08  }
0x3: {  	vm11 =	vcmask $0xF0C;
	vm10 =	vcmask $0x1310;
	vm9 =	vcmask $0x1714  }
0x4: {  	vm8 =	vcmask $0x1B18;
	vm7 =	vcmask $0x1F1C;
	vm6 =	vcmask $0x2320  }
0x5: {  	vm5 =	vcmask $0x2724;
	vm4 =	vcmask $0x2B28;
	vm3 =	vcmask $0x2F2C  }
0x6: {  	vm2 =	vcmask $0x3330;
	vm1 =	vcmask $0x3734;
	vm0 =	vcmask $0x3B38  }
0x7: {  	v1 =	vimm.s32 $0x86;
	v2 =	vimm.s32 $0x109;
	v3 =	vimm.s32 $0x18C  }
0x8: {  	v0 =	vsel vm14, $0x0, v0;
	v1 =	vsel vm14, $0x83, v1;
	v2 =	vsel vm14, $0x106, v2  }
0x9: {  	v3 =	vsel vm14, $0x189, v3;
	v0 =	vsel vm13, $0x80, v0;
	v1 =	vsel vm13, $0x103, v1  }
0xa: {  	v2 =	vsel vm13, $0x186, v2;
	v3 =	vsel vm13, $0x209, v3;
	v0 =	vsel vm12, $0x100, v0  }
0xb: {  	v1 =	vsel vm12, $0x183, v1;
	v2 =	vsel vm12, $0x206, v2;
	v3 =	vsel vm12, $0xA, v3  }
0xc: {  	v0 =	vsel vm11, $0x180, v0;
	v1 =	vsel vm11, $0x203, v1;
	v2 =	vsel vm11, $0x7, v2  }
0xd: {  	v3 =	vsel vm11, $0x8A, v3;
	v0 =	vsel vm10, $0x200, v0;
	v1 =	vsel vm10, $0x4, v1  }
0xe: {  	v2 =	vsel vm10, $0x87, v2;
	v3 =	vsel vm10, $0x10A, v3;
	v0 =	vsel vm9, $0x1, v0  }
0xf: {  	v1 =	vsel vm9, $0x84, v1;
	v2 =	vsel vm9, $0x107, v2;
	v3 =	vsel vm9, $0x18A, v3  }
0x10: {  	s3 =	rddreg [dreg:$0x0];
	s0 =	srdreg.scid;
	v0 =	vsel vm8, $0x81, v0;
	v1 =	vsel vm8, $0x104, v1;
	v2 =	vsel vm8, $0x187, v2  }
0x11: {  	s1 =	stileid.u32;
	s4 =	rddreg [dreg:$0x2];
	s5 =	simm.s32 $0x0;
	v3 =	vsel vm8, $0x20A, v3;
	v0 =	vsel vm7, $0x101, v0;
	v1 =	vsel vm7, $0x184, v1  }
0x12: {  	s0 =	sand.u32 $0x1, s0;
	s1 =	sshll.u32 s1, $0xD;
	[smem:$0x7FF] =	sst s5;
	v2 =	vsel vm7, $0x207, v2;
	v3 =	vsel vm7, $0xB, v3;
	v0 =	vsel vm6, $0x181, v0  }
0x13: {  	s31 =	sadd.s32 $0x4000, s4;
	s2 =	sshll.u32 s0, $0xC;
	s0 =	ssub.s32 $0x2, s0;
	v1 =	vsel vm6, $0x204, v1;
	v2 =	vsel vm6, $0x8, v2;
	v3 =	vsel vm6, $0x8B, v3  }
0x14: {  	_ =	strace $0x80000047;
	[dreg:$0x9] =	wrdreg s31;
	s6 =	sor.u32 s2, s1;
	v0 =	vsel vm5, $0x201, v0;
	v1 =	vsel vm5, $0x5, v1;
	v2 =	vsel vm5, $0x88, v2  }
0x15: {  	s26 =	sshrl.u32 s0, $0x1;
	s29 =	sor.u32 $0x40000, s6;
	[dreg:$0x4] =	wrdreg s6;
	v3 =	vsel vm5, $0x10B, v3;
	v0 =	vsel vm4, $0x2, v0;
	v1 =	vsel vm4, $0x85, v1  }
0x16: {  	s1 =	sshrl.u32 s6, $0x3;
	s30 =	sor.u32 $0x60000, s6;
	[dreg:$0x7] =	wrdreg s29;
	v2 =	vsel vm4, $0x108, v2;
	v3 =	vsel vm4, $0x18B, v3;
	v0 =	vsel vm3, $0x82, v0  }
0x17: {  	s0 =	ssub.s32 s0, s26;
	s3 =	sadd.s32 s3, s1;
	[dreg:$0x8] =	wrdreg s30;
	v1 =	vsel vm3, $0x105, v1;
	v2 =	vsel vm3, $0x188, v2;
	v3 =	vsel vm3, $0x20B, v3  }
0x18: {  	s0 =	smax.u32 s0, $0x1;
	[dreg:$0x5] =	wrdreg s3;
	v0 =	vsel vm2, $0x102, v0;
	v1 =	vsel vm2, $0x185, v1;
	v2 =	vsel vm2, $0x208, v2  }
0x19: {  	s1 =	sadd.s32 s1, s4;
	s28 =	sadd.s32 $0x4000, s3;
	[dreg:$0xb] =	wrdreg s0;
	v3 =	vsel vm2, $0xC, v3;
	v0 =	vsel vm1, $0x182, v0;
	v1 =	vsel vm1, $0x205, v1  }
0x1a: {  	s1 =	sadd.s32 $0x60000, s1;
	[dreg:$0x6] =	wrdreg s28;
	v2 =	vsel vm1, $0x9, v2;
	v3 =	vsel vm1, $0x8C, v3;
	v0 =	vsel vm0, $0x202, v0  }
0x1b: {  	[dreg:$0xa] =	wrdreg s1;
	s1 =	simm.s32 $0x0;
	v1 =	vsel vm0, $0x6, v1;
	v2 =	vsel vm0, $0x89, v2;
	v3 =	vsel vm0, $0x10C, v3  }
.LBB2_1:
0x1c: {  	[dreg:$0xc] =	wrdreg s1  }
0x1d: {  	s0 =	rddreg [dreg:$0x1];
	s24 =	simm.s32 $0x80;
	s25 =	simm.s32 $0x5  }
0x1e: {  	[tilespmem:s24], [sflag:$0x5] =	stream.linear.gather [hbm4b:s0+s5], $0x280, $0x38;
	[tilespmem:$0xC480] =	vst v63  }
0x1f: {  	_ =	swait.ge [sflag:s25], $0x280  }
0x20: {  	[sflag:s25] =	ssyncset.done $0x0  }
0x21: {  	[sflag:s25] =	ssyncadd.s32 $0xFFFFFD80  }
0x22: {  	v4 =	vld.idx.msk [tilespmem:v0+s24+$0x0], $0xffff;
	_ =	sdelay $0x4  }
0x23: {  	v4 =	vmax.f32 v4, $0.0e+00  }
0x24: {  	[tilespmem:$0x0] =	vst v4  }
0x25: {  	v4 =	vld.idx.msk [tilespmem:v1+s24+$0x0], $0xffff;
	_ =	sdelay $0x4  }
0x26: {  	v4 =	vmax.f32 v4, $0.0e+00  }
0x27: {  	[tilespmem:$0x10] =	vst v4  }
0x28: {  	v4 =	vld.idx.msk [tilespmem:v2+s24+$0x0], $0xffff;
	_ =	sdelay $0x4  }
0x29: {  	v4 =	vmax.f32 v4, $0.0e+00  }
0x2a: {  	[tilespmem:$0x20] =	vst v4  }
0x2b: {  	v4 =	vld.idx.msk [tilespmem:v3+s24+$0x0], $0xffff;
	_ =	sdelay $0x4  }
0x2c: {  	v4 =	vmax.f32 v4, $0.0e+00  }
0x2d: {  	s29 =	simm.s32 $0x480;
	s26 =	rddreg [dreg:$0x5];
	[tilespmem:$0x30] =	vst v4  }
0x2e: {  	[tilespmem:s29], [sflag:$0x1] =	stream.linear.gather [hbm4b:s26+s5], $0x1000, $0x38;
	[tilespmem:$0xC480] =	vst v63  }
0x2f: {  	s31 =	simm.s32 $0x1480;
	s28 =	simm.s32 $0x0;
	s30 =	rddreg [dreg:$0x6]  }
0x30: {  	[tilespmem:s31], [sflag:$0x2] =	stream.linear.gather [hbm4b:s30+s5], $0x1000, $0x38;
	[tilespmem:$0xC480] =	vst v63  }
.LBB2_2:
0x31: {  	s0 =	simm.s32 $0x1  }
0x32: {  	_ =	swait.ge [sflag:s0], $0x1000  }
0x33: {  	p0 =	seq.s32 s28, $0x0;
	s1 =	simm.s32 $0x0;
	[sflag:s0] =	ssyncset.done $0x0  }
0x34: {  	s2 =	sand.u32 $0xC00, s1;
	[sflag:s0] =	ssyncadd.s32 $0xFFFFF000;
	s0 =	simm.s32 @!p0 $0x3  }
0x35: {  	s3 =	sand.u32 $0x380, s1;
	s30 =	sand.u32 $0x40, s1;
	_ =	swait.ge @!p0 [sflag:s0], $0x5000  }
0x36: {  	s17 =	sor.u32 s3, s2;
	s7 =	sor.u32 $0x30, s30;
	[sflag:s0] =	ssyncset.done @!p0 $0x0  }
0x37: {  	s11 =	sor.u32 s7, s17;
	[sflag:s0] =	ssyncadd.s32 @!p0 $0xFFFFB000  }
0x38: {  	s3 =	sor.u32 $0x10, s30;
	s1 =	sor.u32 s30, s17;
	v4 =	vld [tilespmem:s11+$0x480]  }
0x39: {  	s2 =	sor.u32 s3, s17;
	v5 =	vld [tilespmem:s1+$0x480]  }
0x3a: {  	v6 =	vld [tilespmem:s2+$0x480]  }
0x3b: {  	s8 =	sor.u32 $0x20, s30  }
0x3c: {  	s6 =	sor.u32 s8, s17  }
0x3d: {  	v7 =	vmul.u32 $0x5, v4;
	v4 =	vld [tilespmem:s6+$0x480]  }
0x3e: {  	v5 =	vmul.u32 $0x5, v5  }
0x3f: {  	v6 =	vmul.u32 $0x5, v6;
	_ =	sdelay $0x2  }
0x40: {  	v10 =	vmul.u32 $0x5, v4  }
0x41: {  	v8 =	vld.idx.msk [tilespmem:v7+s5+$0x0], $0xffff  }
0x42: {  	v9 =	vadd.s32 $0x1, v7;
	v4 =	vld.idx.msk [tilespmem:v5+s5+$0x0], $0xffff  }
0x43: {  	v11 =	vadd.s32 $0x1, v5;
	v12 =	vld.idx.msk [tilespmem:v6+s5+$0x0], $0xffff  }
0x44: {  	v13 =	vadd.s32 $0x1, v6;
	_ =	sdelay $0x1  }
0x45: {  	s12 =	simm.s32 $0x200;
	s4 =	simm.s32 $0x40;
	s9 =	simm.s32 $0x10;
	[tilespmem:s11+$0x2480] =	vst v8;
	v14 =	vld.idx.msk [tilespmem:v10+s5+$0x0], $0xffff  }
0x46: {  	s13 =	sand.u32 $0x380, s9;
	s31 =	sand.u32 $0x40, s4;
	s0 =	sand.u32 $0xC00, s12;
	[tilespmem:s1+$0x2480] =	vst v4;
	v8 =	vld.idx.msk [tilespmem:v9+s5+$0x0], $0xffff  }
0x47: {  	[tilespmem:s2+$0x2480] =	vst v12;
	s1 =	sor.u32 s13, s0;
	s2 =	sor.u32 $0x30, s31;
	v4 =	vld.idx.msk [tilespmem:v11+s5+$0x0], $0xffff;
	v11 =	vadd.s32 $0x1, v10  }
0x48: {  	v9 =	vadd.s32 $0x2, v7;
	v12 =	vld.idx.msk [tilespmem:v13+s5+$0x0], $0xffff;
	s0 =	sor.u32 s2, s1  }
0x49: {  	s13 =	sor.u32 $0x10, s31;
	s16 =	sor.u32 s31, s1;
	v13 =	vld [tilespmem:s0+$0x480]  }
0x4a: {  	s14 =	sadd.s32 $0x3480, s17;
	s25 =	sor.u32 s13, s1;
	v15 =	vld [tilespmem:s16+$0x480]  }
0x4b: {  	s15 =	sor.u32 s7, s14;
	v16 =	vadd.s32 $0x2, v6;
	[tilespmem:s6+$0x2480] =	vst v14;
	v14 =	vld [tilespmem:s25+$0x480]  }
0x4c: {  	[tilespmem:s15+$0x0] =	vst v8;
	v8 =	vadd.s32 $0x2, v5;
	v11 =	vld.idx.msk [tilespmem:v11+s5+$0x0], $0xffff  }
0x4d: {  	s18 =	sor.u32 s30, s14;
	s12 =	sor.u32 $0x20, s31;
	v18 =	vadd.s32 $0x2, v10;
	v9 =	vld.idx.msk [tilespmem:v9+s5+$0x0], $0xffff  }
0x4e: {  	s19 =	sor.u32 s3, s14;
	v17 =	vadd.s32 $0x3, v7;
	s15 =	sor.u32 s12, s1;
	[tilespmem:s18+$0x0] =	vst v4;
	v4 =	vmul.u32 $0x5, v13  }
0x4f: {  	[tilespmem:s19+$0x0] =	vst v12;
	v19 =	vld [tilespmem:s15+$0x480];
	v12 =	vmul.u32 $0x5, v15  }
0x50: {  	s10 =	sadd.s32 $0x4480, s17;
	s9 =	sor.u32 s8, s14;
	v15 =	vld.idx.msk [tilespmem:v16+s5+$0x0], $0xffff  }
0x51: {  	s20 =	sor.u32 s7, s10;
	v21 =	vadd.s32 $0x3, v6;
	v8 =	vld.idx.msk [tilespmem:v8+s5+$0x0], $0xffff;
	[tilespmem:s9+$0x0] =	vst v11  }
0x52: {  	v13 =	vadd.s32 $0x3, v5;
	v22 =	vmul.u32 $0x5, v14;
	[tilespmem:s20+$0x0] =	vst v9;
	v11 =	vld.idx.msk [tilespmem:v18+s5+$0x0], $0xffff  }
0x53: {  	v9 =	vld.idx.msk [tilespmem:v17+s5+$0x0], $0xffff  }
0x54: {  	s14 =	sor.u32 s3, s10;
	v14 =	vadd.s32 $0x4, v7;
	v26 =	vmul.u32 $0x5, v19;
	v16 =	vld.idx.msk [tilespmem:v4+s5+$0x0], $0xffff  }
0x55: {  	s21 =	sor.u32 s30, s10;
	[tilespmem:s14+$0x0] =	vst v15;
	v28 =	vld.idx.msk [tilespmem:v12+s5+$0x0], $0xffff  }
0x56: {  	s22 =	sadd.s32 $0x5480, s17;
	v25 =	vadd.s32 $0x1, v4;
	v21 =	vld.idx.msk [tilespmem:v21+s5+$0x0], $0xffff;
	[tilespmem:s21+$0x0] =	vst v8  }
0x57: {  	s23 =	sor.u32 s7, s22;
	v29 =	vadd.s32 $0x3, v10;
	v27 =	vld.idx.msk [tilespmem:v13+s5+$0x0], $0xffff  }
0x58: {  	s24 =	sor.u32 s8, s10;
	v7 =	vadd.s32 $0x4, v5;
	v5 =	vadd.s32 $0x4, v6;
	v19 =	vadd.s32 $0x1, v12;
	v23 =	vld.idx.msk [tilespmem:v22+s5+$0x0], $0xffff;
	[tilespmem:s23+$0x0] =	vst v9  }
0x59: {  	v6 =	vadd.s32 $0x4, v10;
	v17 =	vadd.s32 $0x1, v22;
	v18 =	vadd.s32 $0x1, v26;
	[tilespmem:s24+$0x0] =	vst v11;
	v20 =	vld.idx.msk [tilespmem:v14+s5+$0x0], $0xffff  }
0x5a: {  	s29 =	sshll.u32 s28, $0x12;
	s4 =	simm.s32 $0x20;
	s17 =	sadd.s32 $0x6480, s17;
	v15 =	vadd.s32 $0x2, v26;
	v10 =	vadd.s32 $0x3, v26;
	v8 =	vadd.s32 $0x3, v12;
	v24 =	vld.idx.msk [tilespmem:v26+s5+$0x0], $0xffff;
	[tilespmem:s0+$0x2480] =	vst v16  }
0x5b: {  	s26 =	sor.u32 s30, s22;
	s14 =	simm.s32 $0x4;
	v13 =	vadd.s32 $0x2, v12;
	s24 =	simm.s32 $0x400;
	v11 =	vadd.s32 $0x4, v26;
	v16 =	vadd.s32 $0x4, v12;
	[tilespmem:s16+$0x2480] =	vst v28;
	v25 =	vld.idx.msk [tilespmem:v25+s5+$0x0], $0xffff  }
0x5c: {  	v9 =	vadd.s32 $0x3, v22;
	s0 =	sor.u32 s3, s22;
	s23 =	sor.u32 s8, s22;
	v12 =	vadd.s32 $0x4, v22;
	v14 =	vadd.s32 $0x2, v22;
	v22 =	vld.idx.msk [tilespmem:v29+s5+$0x0], $0xffff;
	[tilespmem:s26+$0x0] =	vst v27;
	s26 =	simm.s32 $0x80  }
.LBB2_3:
0x5d: {  	s6 =	sand.u32 $0xC00, s24;
	s9 =	sand.u32 $0x380, s4;
	v19 =	vld.idx.msk [tilespmem:v19+s5+$0x0], $0xffff;
	[tilespmem:s25+$0x2480] =	vst v23;
	v23 =	vadd.s32 $0x2, v4;
	s7 =	sor.u32 s7, s17  }
0x5e: {  	s10 =	sand.u32 $0x40, s26;
	s14 =	sadd.s32 $0x4, s14;
	s9 =	sor.u32 s9, s6;
	v17 =	vld.idx.msk [tilespmem:v17+s5+$0x0], $0xffff;
	[tilespmem:s7+$0x0] =	vst v20  }
0x5f: {  	s11 =	sor.u32 $0x30, s10;
	p1 =	slt.u32 s14, $0xFC;
	s6 =	sadd.s32 $0x3480, s1;
	[tilespmem:s15+$0x2480] =	vst v24;
	v20 =	vld.idx.msk [tilespmem:v7+s5+$0x0], $0xffff;
	v7 =	vmov v16  }
0x60: {  	s19 =	sor.u32 $0x10, s10;
	s21 =	sor.u32 s11, s9;
	s7 =	sor.u32 s2, s6;
	v16 =	vld.idx.msk [tilespmem:v18+s5+$0x0], $0xffff;
	[tilespmem:s0+$0x0] =	vst v21  }
0x61: {  	s16 =	sor.u32 s10, s9;
	s25 =	sor.u32 s19, s9;
	s0 =	sor.u32 $0x20, s10;
	v18 =	vld [tilespmem:s21+$0x480];
	[tilespmem:s7+$0x0] =	vst v25  }
0x62: {  	s20 =	sor.u32 s13, s6;
	s15 =	sor.u32 s0, s9;
	s7 =	sor.u32 s31, s6;
	v21 =	vld.idx.msk [tilespmem:v23+s5+$0x0], $0xffff;
	[tilespmem:s23+$0x0] =	vst v22  }
0x63: {  	s23 =	sor.u32 s12, s6;
	s6 =	sor.u32 s3, s17;
	v22 =	vld [tilespmem:s16+$0x480];
	[tilespmem:s7+$0x0] =	vst v19;
	s7 =	sor.u32 s30, s17  }
0x64: {  	s17 =	sor.u32 s8, s17;
	s30 =	smov.u32 s31;
	s31 =	smov.u32 s10;
	v19 =	vld [tilespmem:s25+$0x480];
	[tilespmem:s20+$0x0] =	vst v17;
	v17 =	vadd.s32 $0x3, v4  }
0x65: {  	s10 =	smov.u32 s1;
	s1 =	smov.u32 s9;
	v23 =	vld [tilespmem:s15+$0x480];
	[tilespmem:s7+$0x0] =	vst v20;
	s7 =	smov.u32 s2  }
0x66: {  	s3 =	smov.u32 s13;
	s8 =	sadd.s32 $0x4480, s10;
	s2 =	smov.u32 s11;
	v20 =	vmul.u32 $0x5, v18;
	v24 =	vld.idx.msk [tilespmem:v13+s5+$0x0], $0xffff;
	[tilespmem:s23+$0x0] =	vst v16  }
0x67: {  	s9 =	sor.u32 s30, s8;
	s11 =	sor.u32 s3, s8;
	s13 =	sor.u32 s7, s8;
	v25 =	vld.idx.msk [tilespmem:v14+s5+$0x0], $0xffff  }
0x68: {  	s20 =	sor.u32 s12, s8;
	s8 =	smov.u32 s12;
	v22 =	vmul.u32 $0x5, v22;
	v26 =	vld.idx.msk [tilespmem:v15+s5+$0x0], $0xffff;
	[tilespmem:s13+$0x0] =	vst v21;
	s13 =	smov.u32 s19  }
0x69: {  	s12 =	smov.u32 s0;
	v21 =	vmul.u32 $0x5, v19;
	v27 =	vld.idx.msk [tilespmem:v17+s5+$0x0], $0xffff  }
0x6a: {  	v19 =	vadd.s32 $0x1, v22;
	v13 =	vadd.s32 $0x2, v22;
	v28 =	vmul.u32 $0x5, v23;
	v29 =	vld.idx.msk [tilespmem:v5+s5+$0x0], $0xffff;
	v5 =	vmovc v12  }
0x6b: {  	v30 =	vadd.s32 $0x4, v4;
	v4 =	vmovc v20;
	v17 =	vadd.s32 $0x1, v21;
	v14 =	vadd.s32 $0x2, v21;
	v31 =	vld.idx.msk [tilespmem:v6+s5+$0x0], $0xffff;
	v6 =	vmovc v11  }
0x6c: {  	v11 =	vadd.s32 $0x3, v22;
	v18 =	vadd.s32 $0x1, v28;
	v15 =	vadd.s32 $0x2, v28;
	v32 =	vld.idx.msk [tilespmem:v20+s5+$0x0], $0xffff;
	[tilespmem:s9+$0x0] =	vst v24  }
0x6d: {  	v16 =	vadd.s32 $0x4, v22;
	v33 =	vadd.s32 $0x3, v21;
	v34 =	vadd.s32 $0x3, v28;
	s9 =	sadd.s32 $0x5480, s10;
	v35 =	vld.idx.msk [tilespmem:v8+s5+$0x0], $0xffff;
	[tilespmem:s11+$0x0] =	vst v25;
	v8 =	vmovc v11  }
0x6e: {  	v12 =	vadd.s32 $0x4, v21;
	v11 =	vadd.s32 $0x4, v28;
	v25 =	vadd.s32 $0x1, v4;
	s11 =	sor.u32 s30, s9;
	s0 =	sor.u32 s3, s9;
	s19 =	sor.u32 s7, s9;
	v22 =	vld.idx.msk [tilespmem:v22+s5+$0x0], $0xffff;
	[tilespmem:s20+$0x0] =	vst v26  }
0x6f: {  	s23 =	sor.u32 s8, s9;
	v23 =	vld.idx.msk [tilespmem:v21+s5+$0x0], $0xffff;
	[tilespmem:s19+$0x0] =	vst v27  }
.Ltmp0:
0x70: {  	v20 =	vld.idx.msk [tilespmem:v30+s5+$0x0], $0xffff;
	[tilespmem:s6+$0x0] =	vst v29;
	(pc) =	sbr.rel @p1 .LBB2_3-.Ltmp0, $4  }
0x71: {  	v24 =	vld.idx.msk [tilespmem:v28+s5+$0x0], $0xffff;
	[tilespmem:s17+$0x0] =	vst v31  }
0x72: {  	[tilespmem:s21+$0x2480] =	vst v32;
	v21 =	vld.idx.msk [tilespmem:v9+s5+$0x0], $0xffff;
	v9 =	vmov v33  }
0x73: {  	s24 =	sadd.s32 $0x200, s24;
	v25 =	vld.idx.msk [tilespmem:v25+s5+$0x0], $0xffff;
	[tilespmem:s11+$0x0] =	vst v35  }
0x74: {  	s26 =	sadd.s32 $0x40, s26;
	s4 =	sadd.s32 $0x10, s4;
	s17 =	sadd.s32 $0x6480, s10;
	[tilespmem:s16+$0x2480] =	vst v22;
	v22 =	vld.idx.msk [tilespmem:v10+s5+$0x0], $0xffff;
	v10 =	vmov v34  }
0x75: {  	_ =	sdelay $0x3  }
0x76: {  	v19 =	vld.idx.msk [tilespmem:v19+s5+$0x0], $0xffff;
	[tilespmem:s25+$0x2480] =	vst v23;
	v23 =	vadd.s32 $0x2, v4  }
0x77: {  	v17 =	vld.idx.msk [tilespmem:v17+s5+$0x0], $0xffff  }
0x78: {  	s4 =	sadd.s32 $0x3480, s1;
	[tilespmem:s15+$0x2480] =	vst v24  }
0x79: {  	s6 =	sor.u32 s2, s4;
	v18 =	vld.idx.msk [tilespmem:v18+s5+$0x0], $0xffff  }
0x7a: {  	s10 =	sor.u32 s31, s4;
	[tilespmem:s6+$0x0] =	vst v25  }
0x7b: {  	s9 =	sor.u32 s13, s4;
	v23 =	vld.idx.msk [tilespmem:v23+s5+$0x0], $0xffff;
	[tilespmem:s10+$0x0] =	vst v19  }
0x7c: {  	s11 =	sor.u32 s7, s17;
	[tilespmem:s9+$0x0] =	vst v17;
	v17 =	vadd.s32 $0x3, v4;
	v13 =	vld.idx.msk [tilespmem:v13+s5+$0x0], $0xffff  }
0x7d: {  	s4 =	sor.u32 s12, s4;
	[tilespmem:s11+$0x0] =	vst v20  }
0x7e: {  	s14 =	sadd.s32 $0x4480, s1;
	[tilespmem:s4+$0x0] =	vst v18;
	v14 =	vld.idx.msk [tilespmem:v14+s5+$0x0], $0xffff  }
0x7f: {  	s15 =	sor.u32 s2, s14;
	[tilespmem:s0+$0x0] =	vst v21;
	v15 =	vld.idx.msk [tilespmem:v15+s5+$0x0], $0xffff  }
0x80: {  	v7 =	vld.idx.msk [tilespmem:v7+s5+$0x0], $0xffff;
	s16 =	sor.u32 s31, s14;
	[tilespmem:s15+$0x0] =	vst v23  }
0x81: {  	v17 =	vld.idx.msk [tilespmem:v17+s5+$0x0], $0xffff;
	[tilespmem:s16+$0x0] =	vst v13  }
0x82: {  	s18 =	sor.u32 s13, s14;
	[tilespmem:s23+$0x0] =	vst v22;
	v4 =	vadd.s32 $0x4, v4;
	v8 =	vld.idx.msk [tilespmem:v8+s5+$0x0], $0xffff  }
0x83: {  	v5 =	vld.idx.msk [tilespmem:v5+s5+$0x0], $0xffff;
	s4 =	sor.u32 s12, s14;
	[tilespmem:s18+$0x0] =	vst v14  }
0x84: {  	s19 =	sor.u32 s30, s17;
	s20 =	sadd.s32 $0x5480, s1;
	[tilespmem:s4+$0x0] =	vst v15;
	v9 =	vld.idx.msk [tilespmem:v9+s5+$0x0], $0xffff  }
0x85: {  	s21 =	sor.u32 s2, s20;
	[tilespmem:s19+$0x0] =	vst v7;
	v10 =	vld.idx.msk [tilespmem:v10+s5+$0x0], $0xffff  }
0x86: {  	s22 =	sor.u32 s31, s20;
	v6 =	vld.idx.msk [tilespmem:v6+s5+$0x0], $0xffff;
	[tilespmem:s21+$0x0] =	vst v17  }
0x87: {  	s24 =	sor.u32 s3, s17;
	v4 =	vld.idx.msk [tilespmem:v4+s5+$0x0], $0xffff;
	[tilespmem:s22+$0x0] =	vst v8  }
0x88: {  	s23 =	sor.u32 s13, s20;
	[tilespmem:s24+$0x0] =	vst v5;
	v7 =	vld.idx.msk [tilespmem:v16+s5+$0x0], $0xffff  }
0x89: {  	s4 =	sor.u32 s12, s20;
	[tilespmem:s23+$0x0] =	vst v9  }
0x8a: {  	s25 =	sor.u32 s8, s17;
	s26 =	sadd.s32 $0x6480, s1;
	[tilespmem:s4+$0x0] =	vst v10;
	v8 =	vld.idx.msk [tilespmem:v12+s5+$0x0], $0xffff  }
0x8b: {  	s1 =	sor.u32 s2, s26;
	[tilespmem:s25+$0x0] =	vst v6;
	v5 =	vld.idx.msk [tilespmem:v11+s5+$0x0], $0xffff  }
0x8c: {  	s2 =	sor.u32 s31, s26;
	[tilespmem:s1+$0x0] =	vst v4  }
0x8d: {  	[tilespmem:s2+$0x0] =	vst v7  }
0x8e: {  	s3 =	sor.u32 s13, s26;
	s1 =	rddreg [dreg:$0x4]  }
0x8f: {  	s7 =	simm.s32 $0x320000;
	s0 =	sor.u32 s12, s26;
	[tilespmem:s3+$0x0] =	vst v8;
	s1 =	sor.u32 s1, s29  }
0x90: {  	s8 =	simm.s32 $0x2480;
	s4 =	rddreg [dreg:$0x2];
	[tilespmem:s0+$0x0] =	vst v5;
	s30 =	sshrl.u32 s1, $0x3  }
0x91: {  	s6 =	simm.s32 $0x1000;
	s9 =	rddreg [dreg:$0x7];
	s0 =	sadd.s32 s4, s30  }
0x92: {  	[hbm4b:s0+s6] =	stream.strided.scatter [tilespmem:s8], [sflag:$0x3], $0x5000, s7, s6, $0x38;
	[tilespmem:$0xC480] =	vst v63  }
0x93: {  	s0 =	sadd.s32 s9, s29  }
0x94: {  	s10 =	rddreg [dreg:$0x0];
	s0 =	sshrl.u32 s0, $0x3  }
0x95: {  	s11 =	simm.s32 $0x480;
	s12 =	simm.s32 $0x2;
	s0 =	sadd.s32 s10, s0  }
0x96: {  	[tilespmem:s11], [sflag:$0x1] =	stream.linear.gather [hbm4b:s0+s5], $0x1000, $0x38;
	[tilespmem:$0xC480] =	vst v63  }
0x97: {  	_ =	swait.ge [sflag:s12], $0x1000  }
0x98: {  	s13 =	simm.s32 $0x0;
	[sflag:s12] =	ssyncset.done $0x0  }
0x99: {  	s31 =	sand.u32 $0x40, s13;
	s0 =	simm.s32 @!p0 $0x4;
	[sflag:s12] =	ssyncadd.s32 $0xFFFFF000  }
0x9a: {  	s14 =	sand.u32 $0xC00, s13;
	s15 =	sand.u32 $0x380, s13;
	_ =	swait.ge @!p0 [sflag:s0], $0x5000  }
0x9b: {  	s23 =	sor.u32 s15, s14;
	s15 =	sor.u32 $0x30, s31;
	[sflag:s0] =	ssyncset.done @!p0 $0x0  }
0x9c: {  	s16 =	sor.u32 s15, s23;
	[sflag:s0] =	ssyncadd.s32 @!p0 $0xFFFFB000  }
0x9d: {  	s2 =	sor.u32 s31, s23;
	s1 =	sor.u32 $0x10, s31;
	v4 =	vld [tilespmem:s16+$0x1480]  }
0x9e: {  	s17 =	sor.u32 s1, s23;
	v5 =	vld [tilespmem:s2+$0x1480]  }
0x9f: {  	v6 =	vld [tilespmem:s17+$0x1480]  }
0xa0: {  	s12 =	sor.u32 $0x20, s31  }
0xa1: {  	s18 =	sor.u32 s12, s23  }
0xa2: {  	v7 =	vmul.u32 $0x5, v4;
	v4 =	vld [tilespmem:s18+$0x1480]  }
0xa3: {  	v5 =	vmul.u32 $0x5, v5  }
0xa4: {  	v6 =	vmul.u32 $0x5, v6;
	_ =	sdelay $0x2  }
0xa5: {  	v10 =	vmul.u32 $0x5, v4  }
0xa6: {  	v8 =	vld.idx.msk [tilespmem:v7+s5+$0x0], $0xffff  }
0xa7: {  	v9 =	vadd.s32 $0x1, v7;
	v4 =	vld.idx.msk [tilespmem:v5+s5+$0x0], $0xffff  }
0xa8: {  	v11 =	vadd.s32 $0x1, v5;
	v12 =	vld.idx.msk [tilespmem:v6+s5+$0x0], $0xffff  }
0xa9: {  	v13 =	vadd.s32 $0x1, v6;
	_ =	sdelay $0x1  }
0xaa: {  	s19 =	simm.s32 $0x200;
	s20 =	simm.s32 $0x40;
	s21 =	simm.s32 $0x10;
	[tilespmem:s16+$0x7480] =	vst v8;
	v14 =	vld.idx.msk [tilespmem:v10+s5+$0x0], $0xffff  }
0xab: {  	s22 =	sand.u32 $0x380, s21;
	s3 =	sand.u32 $0x40, s20;
	s0 =	sand.u32 $0xC00, s19;
	[tilespmem:s2+$0x7480] =	vst v4;
	v8 =	vld.idx.msk [tilespmem:v9+s5+$0x0], $0xffff  }
0xac: {  	s8 =	sor.u32 $0x30, s3;
	[tilespmem:s17+$0x7480] =	vst v12;
	s2 =	sor.u32 s22, s0;
	v4 =	vld.idx.msk [tilespmem:v11+s5+$0x0], $0xffff  }
0xad: {  	v11 =	vadd.s32 $0x1, v10;
	v12 =	vld.idx.msk [tilespmem:v13+s5+$0x0], $0xffff;
	s26 =	sor.u32 s8, s2  }
0xae: {  	s13 =	sor.u32 $0x20, s3;
	v9 =	vadd.s32 $0x2, v7;
	s0 =	sor.u32 s3, s2;
	v13 =	vld [tilespmem:s26+$0x1480]  }
0xaf: {  	s7 =	sor.u32 $0x10, s3;
	s25 =	sor.u32 s13, s2;
	v15 =	vld [tilespmem:s0+$0x1480]  }
0xb0: {  	s24 =	sadd.s32 $0x8480, s23;
	s14 =	sor.u32 s7, s2;
	v19 =	vld [tilespmem:s25+$0x1480]  }
0xb1: {  	s10 =	sor.u32 s15, s24;
	v16 =	vadd.s32 $0x2, v6;
	[tilespmem:s18+$0x7480] =	vst v14;
	v14 =	vld [tilespmem:s14+$0x1480]  }
0xb2: {  	[tilespmem:s10+$0x0] =	vst v8;
	v8 =	vadd.s32 $0x2, v5;
	v11 =	vld.idx.msk [tilespmem:v11+s5+$0x0], $0xffff  }
0xb3: {  	s11 =	sor.u32 s31, s24;
	v18 =	vadd.s32 $0x2, v10;
	v9 =	vld.idx.msk [tilespmem:v9+s5+$0x0], $0xffff  }
0xb4: {  	v17 =	vadd.s32 $0x3, v7;
	s16 =	sor.u32 s1, s24;
	[tilespmem:s11+$0x0] =	vst v4;
	v4 =	vmul.u32 $0x5, v13  }
0xb5: {  	[tilespmem:s16+$0x0] =	vst v12;
	v12 =	vmul.u32 $0x5, v15  }
0xb6: {  	s9 =	sor.u32 s12, s24;
	s10 =	sadd.s32 $0x9480, s23;
	v15 =	vld.idx.msk [tilespmem:v16+s5+$0x0], $0xffff;
	v26 =	vmul.u32 $0x5, v19  }
0xb7: {  	s17 =	sor.u32 s15, s10;
	v8 =	vld.idx.msk [tilespmem:v8+s5+$0x0], $0xffff;
	[tilespmem:s9+$0x0] =	vst v11  }
0xb8: {  	v13 =	vadd.s32 $0x3, v5;
	v22 =	vmul.u32 $0x5, v14;
	[tilespmem:s17+$0x0] =	vst v9;
	v11 =	vld.idx.msk [tilespmem:v18+s5+$0x0], $0xffff  }
0xb9: {  	v9 =	vld.idx.msk [tilespmem:v17+s5+$0x0], $0xffff  }
0xba: {  	v14 =	vadd.s32 $0x4, v7;
	v16 =	vld.idx.msk [tilespmem:v4+s5+$0x0], $0xffff  }
0xbb: {  	v21 =	vadd.s32 $0x3, v6;
	s18 =	sor.u32 s31, s10;
	v28 =	vld.idx.msk [tilespmem:v12+s5+$0x0], $0xffff  }
0xbc: {  	s19 =	sadd.s32 $0xA480, s23;
	s11 =	sor.u32 s1, s10;
	v25 =	vadd.s32 $0x1, v4;
	v24 =	vld.idx.msk [tilespmem:v26+s5+$0x0], $0xffff;
	[tilespmem:s18+$0x0] =	vst v8  }
0xbd: {  	s20 =	sor.u32 s15, s19;
	v29 =	vadd.s32 $0x3, v10;
	[tilespmem:s11+$0x0] =	vst v15;
	v27 =	vld.idx.msk [tilespmem:v13+s5+$0x0], $0xffff  }
0xbe: {  	s21 =	sor.u32 s12, s10;
	v19 =	vadd.s32 $0x1, v12;
	v7 =	vadd.s32 $0x4, v5;
	v5 =	vadd.s32 $0x4, v6;
	v23 =	vld.idx.msk [tilespmem:v22+s5+$0x0], $0xffff;
	[tilespmem:s20+$0x0] =	vst v9  }
0xbf: {  	v6 =	vadd.s32 $0x4, v10;
	v10 =	vadd.s32 $0x3, v26;
	v18 =	vadd.s32 $0x1, v22;
	[tilespmem:s21+$0x0] =	vst v11;
	v20 =	vld.idx.msk [tilespmem:v14+s5+$0x0], $0xffff  }
0xc0: {  	s4 =	simm.s32 $0x80;
	s24 =	simm.s32 $0x4;
	v15 =	vadd.s32 $0x2, v26;
	v17 =	vadd.s32 $0x1, v26;
	v21 =	vld.idx.msk [tilespmem:v21+s5+$0x0], $0xffff;
	v8 =	vadd.s32 $0x3, v12;
	[tilespmem:s26+$0x7480] =	vst v16  }
0xc1: {  	s22 =	sor.u32 s31, s19;
	s16 =	sor.u32 s12, s19;
	s23 =	sadd.s32 $0xB480, s23;
	v13 =	vadd.s32 $0x2, v12;
	v11 =	vadd.s32 $0x4, v26;
	v16 =	vadd.s32 $0x4, v12;
	[tilespmem:s0+$0x7480] =	vst v28;
	v25 =	vld.idx.msk [tilespmem:v25+s5+$0x0], $0xffff  }
0xc2: {  	s10 =	sor.u32 s1, s19;
	s17 =	simm.s32 $0x20;
	v9 =	vadd.s32 $0x3, v22;
	s26 =	simm.s32 $0x400;
	v12 =	vadd.s32 $0x4, v22;
	v14 =	vadd.s32 $0x2, v22;
	v22 =	vld.idx.msk [tilespmem:v29+s5+$0x0], $0xffff;
	[tilespmem:s22+$0x0] =	vst v27  }
.LBB2_5:
0xc3: {  	s0 =	sand.u32 $0xC00, s26;
	s6 =	sand.u32 $0x380, s17;
	v19 =	vld.idx.msk [tilespmem:v19+s5+$0x0], $0xffff;
	[tilespmem:s14+$0x7480] =	vst v23;
	v23 =	vadd.s32 $0x2, v4;
	s9 =	sor.u32 s15, s23  }
0xc4: {  	s11 =	sand.u32 $0x40, s4;
	s24 =	sadd.s32 $0x4, s24;
	s15 =	sor.u32 s6, s0;
	v18 =	vld.idx.msk [tilespmem:v18+s5+$0x0], $0xffff;
	[tilespmem:s9+$0x0] =	vst v20  }
0xc5: {  	s19 =	sor.u32 $0x30, s11;
	p0 =	slt.u32 s24, $0xFC;
	s6 =	sadd.s32 $0x8480, s2;
	[tilespmem:s25+$0x7480] =	vst v24;
	v20 =	vld.idx.msk [tilespmem:v7+s5+$0x0], $0xffff;
	v7 =	vmov v16  }
0xc6: {  	s20 =	sor.u32 $0x10, s11;
	s0 =	sor.u32 s19, s15;
	s9 =	sor.u32 s8, s6;
	v16 =	vld.idx.msk [tilespmem:v17+s5+$0x0], $0xffff;
	[tilespmem:s10+$0x0] =	vst v21  }
0xc7: {  	s21 =	sor.u32 s11, s15;
	s14 =	sor.u32 s20, s15;
	s10 =	sor.u32 $0x20, s11;
	v17 =	vld [tilespmem:s0+$0x1480];
	[tilespmem:s9+$0x0] =	vst v25  }
0xc8: {  	s22 =	sor.u32 s7, s6;
	s25 =	sor.u32 s10, s15;
	s9 =	sor.u32 s3, s6;
	v21 =	vld.idx.msk [tilespmem:v23+s5+$0x0], $0xffff;
	[tilespmem:s16+$0x0] =	vst v22  }
0xc9: {  	s18 =	sor.u32 s31, s23;
	s16 =	sor.u32 s13, s6;
	s6 =	sor.u32 s1, s23;
	v22 =	vld [tilespmem:s21+$0x1480];
	[tilespmem:s9+$0x0] =	vst v19  }
0xca: {  	s31 =	smov.u32 s3;
	s3 =	smov.u32 s11;
	s9 =	sor.u32 s12, s23;
	v19 =	vld [tilespmem:s14+$0x1480];
	[tilespmem:s22+$0x0] =	vst v18;
	v18 =	vadd.s32 $0x3, v4  }
0xcb: {  	s23 =	smov.u32 s2;
	s2 =	smov.u32 s15;
	s15 =	smov.u32 s8;
	v23 =	vld [tilespmem:s25+$0x1480];
	[tilespmem:s18+$0x0] =	vst v20  }
0xcc: {  	s1 =	smov.u32 s7;
	s8 =	smov.u32 s19;
	s11 =	sadd.s32 $0x9480, s23;
	v20 =	vmul.u32 $0x5, v17;
	v24 =	vld.idx.msk [tilespmem:v13+s5+$0x0], $0xffff;
	[tilespmem:s16+$0x0] =	vst v16  }
0xcd: {  	s18 =	sor.u32 s1, s11;
	s7 =	sor.u32 s15, s11;
	s16 =	sor.u32 s31, s11;
	v25 =	vld.idx.msk [tilespmem:v14+s5+$0x0], $0xffff  }
0xce: {  	s12 =	smov.u32 s13;
	s11 =	sor.u32 s13, s11;
	v22 =	vmul.u32 $0x5, v22;
	v26 =	vld.idx.msk [tilespmem:v15+s5+$0x0], $0xffff;
	[tilespmem:s7+$0x0] =	vst v21;
	s7 =	smov.u32 s20  }
0xcf: {  	s13 =	smov.u32 s10;
	v21 =	vmul.u32 $0x5, v19;
	v27 =	vld.idx.msk [tilespmem:v18+s5+$0x0], $0xffff  }
0xd0: {  	v19 =	vadd.s32 $0x1, v22;
	v13 =	vadd.s32 $0x2, v22;
	v28 =	vmul.u32 $0x5, v23;
	v29 =	vld.idx.msk [tilespmem:v5+s5+$0x0], $0xffff;
	v5 =	vmovc v12  }
0xd1: {  	v30 =	vadd.s32 $0x4, v4;
	v4 =	vmovc v20;
	v18 =	vadd.s32 $0x1, v21;
	v14 =	vadd.s32 $0x2, v21;
	v31 =	vld.idx.msk [tilespmem:v6+s5+$0x0], $0xffff;
	v6 =	vmovc v11  }
0xd2: {  	v11 =	vadd.s32 $0x3, v22;
	v17 =	vadd.s32 $0x1, v28;
	v15 =	vadd.s32 $0x2, v28;
	v32 =	vld.idx.msk [tilespmem:v20+s5+$0x0], $0xffff;
	[tilespmem:s16+$0x0] =	vst v24  }
0xd3: {  	v16 =	vadd.s32 $0x4, v22;
	v33 =	vadd.s32 $0x3, v21;
	v34 =	vadd.s32 $0x3, v28;
	s16 =	sadd.s32 $0xA480, s23;
	v35 =	vld.idx.msk [tilespmem:v8+s5+$0x0], $0xffff;
	[tilespmem:s18+$0x0] =	vst v25;
	v8 =	vmovc v11  }
0xd4: {  	v12 =	vadd.s32 $0x4, v21;
	v11 =	vadd.s32 $0x4, v28;
	v25 =	vadd.s32 $0x1, v4;
	s18 =	sor.u32 s31, s16;
	s10 =	sor.u32 s1, s16;
	v22 =	vld.idx.msk [tilespmem:v22+s5+$0x0], $0xffff;
	[tilespmem:s11+$0x0] =	vst v26;
	s11 =	sor.u32 s15, s16  }
0xd5: {  	s16 =	sor.u32 s12, s16;
	v23 =	vld.idx.msk [tilespmem:v21+s5+$0x0], $0xffff;
	[tilespmem:s11+$0x0] =	vst v27  }
.Ltmp1:
0xd6: {  	v20 =	vld.idx.msk [tilespmem:v30+s5+$0x0], $0xffff;
	[tilespmem:s6+$0x0] =	vst v29;
	(pc) =	sbr.rel @p0 .LBB2_5-.Ltmp1, $4  }
0xd7: {  	v24 =	vld.idx.msk [tilespmem:v28+s5+$0x0], $0xffff;
	[tilespmem:s9+$0x0] =	vst v31  }
0xd8: {  	[tilespmem:s0+$0x7480] =	vst v32;
	v21 =	vld.idx.msk [tilespmem:v9+s5+$0x0], $0xffff;
	v9 =	vmov v33  }
0xd9: {  	s26 =	sadd.s32 $0x200, s26;
	v25 =	vld.idx.msk [tilespmem:v25+s5+$0x0], $0xffff;
	[tilespmem:s18+$0x0] =	vst v35  }
0xda: {  	s4 =	sadd.s32 $0x40, s4;
	s17 =	sadd.s32 $0x10, s17;
	s23 =	sadd.s32 $0xB480, s23;
	[tilespmem:s21+$0x7480] =	vst v22;
	v22 =	vld.idx.msk [tilespmem:v10+s5+$0x0], $0xffff;
	v10 =	vmov v34  }
0xdb: {  	_ =	sdelay $0x3  }
0xdc: {  	v19 =	vld.idx.msk [tilespmem:v19+s5+$0x0], $0xffff;
	[tilespmem:s14+$0x7480] =	vst v23;
	v58 =	vadd.s32 $0x2, v4  }
0xdd: {  	v18 =	vld.idx.msk [tilespmem:v18+s5+$0x0], $0xffff;
	[tilespmem:s25+$0x7480] =	vst v24  }
0xde: {  	s0 =	sadd.s32 $0x8480, s2;
	v17 =	vld.idx.msk [tilespmem:v17+s5+$0x0], $0xffff  }
0xdf: {  	s4 =	sor.u32 s8, s0  }
0xe0: {  	s26 =	sor.u32 s3, s0;
	[tilespmem:s4+$0x0] =	vst v25  }
0xe1: {  	s6 =	sor.u32 s7, s0;
	[tilespmem:s26+$0x0] =	vst v19;
	v59 =	vld.idx.msk [tilespmem:v58+s5+$0x0], $0xffff  }
0xe2: {  	v60 =	vadd.s32 $0x3, v4;
	s0 =	sor.u32 s13, s0;
	[tilespmem:s6+$0x0] =	vst v18;
	v13 =	vld.idx.msk [tilespmem:v13+s5+$0x0], $0xffff  }
0xe3: {  	s9 =	sor.u32 s15, s23;
	[tilespmem:s0+$0x0] =	vst v17;
	v14 =	vld.idx.msk [tilespmem:v14+s5+$0x0], $0xffff  }
0xe4: {  	s11 =	sadd.s32 $0x9480, s2;
	[tilespmem:s9+$0x0] =	vst v20;
	v15 =	vld.idx.msk [tilespmem:v15+s5+$0x0], $0xffff  }
0xe5: {  	s14 =	sor.u32 s8, s11;
	[tilespmem:s10+$0x0] =	vst v21  }
0xe6: {  	v7 =	vld.idx.msk [tilespmem:v7+s5+$0x0], $0xffff;
	s6 =	sor.u32 s3, s11;
	[tilespmem:s14+$0x0] =	vst v59  }
0xe7: {  	s15 =	sor.u32 s7, s11;
	v61 =	vld.idx.msk [tilespmem:v60+s5+$0x0], $0xffff;
	[tilespmem:s6+$0x0] =	vst v13  }
0xe8: {  	v4 =	vadd.s32 $0x4, v4;
	s0 =	sor.u32 s13, s11;
	v8 =	vld.idx.msk [tilespmem:v8+s5+$0x0], $0xffff;
	[tilespmem:s15+$0x0] =	vst v14  }
0xe9: {  	[tilespmem:s0+$0x0] =	vst v15;
	v9 =	vld.idx.msk [tilespmem:v9+s5+$0x0], $0xffff  }
0xea: {  	s17 =	sadd.s32 $0xA480, s2;
	[tilespmem:s16+$0x0] =	vst v22;
	s16 =	sor.u32 s31, s23;
	v10 =	vld.idx.msk [tilespmem:v10+s5+$0x0], $0xffff  }
0xeb: {  	s18 =	sor.u32 s8, s17;
	v5 =	vld.idx.msk [tilespmem:v5+s5+$0x0], $0xffff;
	[tilespmem:s16+$0x0] =	vst v7  }
0xec: {  	s19 =	sor.u32 s3, s17;
	v6 =	vld.idx.msk [tilespmem:v6+s5+$0x0], $0xffff;
	[tilespmem:s18+$0x0] =	vst v61  }
0xed: {  	s20 =	sor.u32 s7, s17;
	v4 =	vld.idx.msk [tilespmem:v4+s5+$0x0], $0xffff;
	[tilespmem:s19+$0x0] =	vst v8  }
0xee: {  	s4 =	sor.u32 s13, s17;
	v62 =	vld.idx.msk [tilespmem:v16+s5+$0x0], $0xffff;
	[tilespmem:s20+$0x0] =	vst v9  }
0xef: {  	s21 =	sor.u32 s1, s23;
	[tilespmem:s4+$0x0] =	vst v10;
	v63 =	vld.idx.msk [tilespmem:v12+s5+$0x0], $0xffff  }
0xf0: {  	s22 =	sor.u32 s12, s23;
	s23 =	sadd.s32 $0xB480, s2;
	[tilespmem:s21+$0x0] =	vst v5;
	v5 =	vld.idx.msk [tilespmem:v11+s5+$0x0], $0xffff  }
0xf1: {  	s24 =	sor.u32 s8, s23;
	[tilespmem:s22+$0x0] =	vst v6  }
0xf2: {  	s25 =	sor.u32 s3, s23;
	[tilespmem:s24+$0x0] =	vst v4  }
0xf3: {  	p0 =	seq.s32 s28, $0xB;
	s2 =	sor.u32 s7, s23;
	[tilespmem:s25+$0x0] =	vst v62  }
.Ltmp2:
0xf4: {  	s0 =	sor.u32 s13, s23;
	[tilespmem:s2+$0x0] =	vst v63;
	(pc) =	sbr.rel @p0 .LBB2_8-.Ltmp2, $4  }
0xf5: {  	[tilespmem:s0+$0x0] =	vst v5  }
0xf6: {  	s31 =	simm.s32 $0x7480;
	s0 =	rddreg [dreg:$0x9]  }
0xf7: {  	s26 =	simm.s32 $0x1000;
	s0 =	sadd.s32 s30, s0;
	s30 =	simm.s32 $0x320000  }
0xf8: {  	[hbm4b:s0+s26] =	stream.strided.scatter [tilespmem:s31], [sflag:$0x4], $0x5000, s30, s26, $0x38;
	[tilespmem:$0xC480] =	vst v63  }
.Ltmp3:
0xf9: {  	s0 =	rddreg [dreg:$0x8];
	(pc) =	sbr.rel .LBB2_2-.Ltmp3, $4  }
0xfa: {  	s0 =	sadd.s32 s0, s29  }
0xfb: {  	s1 =	rddreg [dreg:$0x0];
	s0 =	sshrl.u32 s0, $0x3  }
0xfc: {  	s31 =	simm.s32 $0x1480;
	s28 =	sadd.s32 $0x1, s28;
	s0 =	sadd.s32 s1, s0  }
0xfd: {  	[tilespmem:s31], [sflag:$0x2] =	stream.linear.gather [hbm4b:s0+s5], $0x1000, $0x38;
	[tilespmem:$0xC480] =	vst v63  }
.LBB2_8:
0xfe: {  	s0 =	simm.s32 $0x1  }
0xff: {  	_ =	swait.ge [sflag:s0], $0x1000  }
0x100: {  	s10 =	simm.s32 $0x0;
	[sflag:s0] =	ssyncset.done $0x0  }
0x101: {  	s30 =	simm.s32 $0x3;
	s1 =	sand.u32 $0xC00, s10;
	[sflag:s0] =	ssyncadd.s32 $0xFFFFF000  }
0x102: {  	s2 =	sand.u32 $0x380, s10;
	s28 =	sand.u32 $0x40, s10;
	_ =	swait.ge [sflag:s30], $0x5000  }
0x103: {  	s23 =	sor.u32 s2, s1;
	s15 =	sor.u32 $0x30, s28;
	[sflag:s30] =	ssyncset.done $0x0  }
0x104: {  	s11 =	sor.u32 s15, s23;
	[sflag:s30] =	ssyncadd.s32 $0xFFFFB000  }
0x105: {  	s1 =	sor.u32 $0x10, s28;
	s2 =	sor.u32 s28, s23;
	v4 =	vld [tilespmem:s11+$0x480]  }
0x106: {  	s4 =	sor.u32 s1, s23;
	v5 =	vld [tilespmem:s2+$0x480]  }
0x107: {  	v6 =	vld [tilespmem:s4+$0x480]  }
0x108: {  	s12 =	sor.u32 $0x20, s28  }
0x109: {  	s6 =	sor.u32 s12, s23  }
0x10a: {  	v7 =	vmul.u32 $0x5, v4;
	v4 =	vld [tilespmem:s6+$0x480]  }
0x10b: {  	v5 =	vmul.u32 $0x5, v5  }
0x10c: {  	v6 =	vmul.u32 $0x5, v6;
	_ =	sdelay $0x2  }
0x10d: {  	v10 =	vmul.u32 $0x5, v4  }
0x10e: {  	v8 =	vld.idx.msk [tilespmem:v7+s5+$0x0], $0xffff  }
0x10f: {  	v9 =	vadd.s32 $0x1, v7;
	v4 =	vld.idx.msk [tilespmem:v5+s5+$0x0], $0xffff  }
0x110: {  	v11 =	vadd.s32 $0x1, v5;
	v12 =	vld.idx.msk [tilespmem:v6+s5+$0x0], $0xffff  }
0x111: {  	v13 =	vadd.s32 $0x1, v6;
	_ =	sdelay $0x1  }
0x112: {  	s13 =	simm.s32 $0x200;
	s3 =	simm.s32 $0x40;
	s7 =	simm.s32 $0x10;
	[tilespmem:s11+$0x2480] =	vst v8;
	v14 =	vld.idx.msk [tilespmem:v10+s5+$0x0], $0xffff  }
0x113: {  	s14 =	sand.u32 $0x380, s7;
	s3 =	sand.u32 $0x40, s3;
	s0 =	sand.u32 $0xC00, s13;
	[tilespmem:s2+$0x2480] =	vst v4;
	v8 =	vld.idx.msk [tilespmem:v9+s5+$0x0], $0xffff  }
0x114: {  	s8 =	sor.u32 $0x30, s3;
	[tilespmem:s4+$0x2480] =	vst v12;
	s2 =	sor.u32 s14, s0;
	v4 =	vld.idx.msk [tilespmem:v11+s5+$0x0], $0xffff  }
0x115: {  	v11 =	vadd.s32 $0x1, v10;
	v12 =	vld.idx.msk [tilespmem:v13+s5+$0x0], $0xffff;
	s4 =	sor.u32 s8, s2  }
0x116: {  	s13 =	sor.u32 $0x20, s3;
	v9 =	vadd.s32 $0x2, v7;
	s17 =	sor.u32 s3, s2;
	v13 =	vld [tilespmem:s4+$0x480]  }
0x117: {  	s7 =	sor.u32 $0x10, s3;
	s25 =	sor.u32 s13, s2;
	v15 =	vld [tilespmem:s17+$0x480]  }
0x118: {  	s9 =	sadd.s32 $0x3480, s23;
	s14 =	sor.u32 s7, s2;
	v19 =	vld [tilespmem:s25+$0x480]  }
0x119: {  	s16 =	sor.u32 s15, s9;
	v16 =	vadd.s32 $0x2, v6;
	[tilespmem:s6+$0x2480] =	vst v14;
	v14 =	vld [tilespmem:s14+$0x480]  }
0x11a: {  	[tilespmem:s16+$0x0] =	vst v8;
	v8 =	vadd.s32 $0x2, v5;
	v11 =	vld.idx.msk [tilespmem:v11+s5+$0x0], $0xffff  }
0x11b: {  	s18 =	sor.u32 s28, s9;
	v18 =	vadd.s32 $0x2, v10;
	v9 =	vld.idx.msk [tilespmem:v9+s5+$0x0], $0xffff  }
0x11c: {  	s19 =	sor.u32 s1, s9;
	v17 =	vadd.s32 $0x3, v7;
	[tilespmem:s18+$0x0] =	vst v4;
	v4 =	vmul.u32 $0x5, v13  }
0x11d: {  	[tilespmem:s19+$0x0] =	vst v12;
	v12 =	vmul.u32 $0x5, v15  }
0x11e: {  	s10 =	sadd.s32 $0x4480, s23;
	s9 =	sor.u32 s12, s9;
	v15 =	vld.idx.msk [tilespmem:v16+s5+$0x0], $0xffff;
	v26 =	vmul.u32 $0x5, v19  }
0x11f: {  	s20 =	sor.u32 s15, s10;
	v8 =	vld.idx.msk [tilespmem:v8+s5+$0x0], $0xffff;
	[tilespmem:s9+$0x0] =	vst v11  }
0x120: {  	v13 =	vadd.s32 $0x3, v5;
	v22 =	vmul.u32 $0x5, v14;
	[tilespmem:s20+$0x0] =	vst v9;
	v11 =	vld.idx.msk [tilespmem:v18+s5+$0x0], $0xffff  }
0x121: {  	v9 =	vld.idx.msk [tilespmem:v17+s5+$0x0], $0xffff  }
0x122: {  	v14 =	vadd.s32 $0x4, v7;
	v16 =	vld.idx.msk [tilespmem:v4+s5+$0x0], $0xffff  }
0x123: {  	s21 =	sor.u32 s28, s10;
	v21 =	vadd.s32 $0x3, v6;
	v28 =	vld.idx.msk [tilespmem:v12+s5+$0x0], $0xffff  }
0x124: {  	s22 =	sadd.s32 $0x5480, s23;
	s11 =	sor.u32 s1, s10;
	v25 =	vadd.s32 $0x1, v4;
	v24 =	vld.idx.msk [tilespmem:v26+s5+$0x0], $0xffff;
	[tilespmem:s21+$0x0] =	vst v8  }
0x125: {  	s24 =	sor.u32 s15, s22;
	v29 =	vadd.s32 $0x3, v10;
	[tilespmem:s11+$0x0] =	vst v15;
	v27 =	vld.idx.msk [tilespmem:v13+s5+$0x0], $0xffff  }
0x126: {  	s26 =	sor.u32 s12, s10;
	v19 =	vadd.s32 $0x1, v12;
	v7 =	vadd.s32 $0x4, v5;
	v5 =	vadd.s32 $0x4, v6;
	v23 =	vld.idx.msk [tilespmem:v22+s5+$0x0], $0xffff;
	[tilespmem:s24+$0x0] =	vst v9  }
0x127: {  	v6 =	vadd.s32 $0x4, v10;
	v10 =	vadd.s32 $0x3, v26;
	v18 =	vadd.s32 $0x1, v22;
	[tilespmem:s26+$0x0] =	vst v11;
	v20 =	vld.idx.msk [tilespmem:v14+s5+$0x0], $0xffff  }
0x128: {  	s31 =	sor.u32 s28, s22;
	s29 =	sor.u32 s12, s22;
	v15 =	vadd.s32 $0x2, v26;
	v17 =	vadd.s32 $0x1, v26;
	v21 =	vld.idx.msk [tilespmem:v21+s5+$0x0], $0xffff;
	v8 =	vadd.s32 $0x3, v12;
	[tilespmem:s4+$0x2480] =	vst v16  }
0x129: {  	s10 =	sor.u32 s1, s22;
	s16 =	sadd.s32 $0x6480, s23;
	v13 =	vadd.s32 $0x2, v12;
	s26 =	simm.s32 $0x400;
	v11 =	vadd.s32 $0x4, v26;
	v16 =	vadd.s32 $0x4, v12;
	[tilespmem:s17+$0x2480] =	vst v28;
	v25 =	vld.idx.msk [tilespmem:v25+s5+$0x0], $0xffff  }
0x12a: {  	s24 =	simm.s32 $0x4;
	v9 =	vadd.s32 $0x3, v22;
	v12 =	vadd.s32 $0x4, v22;
	s4 =	simm.s32 $0x80;
	s17 =	simm.s32 $0x20;
	v14 =	vadd.s32 $0x2, v22;
	v22 =	vld.idx.msk [tilespmem:v29+s5+$0x0], $0xffff;
	[tilespmem:s31+$0x0] =	vst v27  }
.LBB2_9:
0x12b: {  	s0 =	sand.u32 $0xC00, s26;
	s6 =	sand.u32 $0x380, s17;
	v19 =	vld.idx.msk [tilespmem:v19+s5+$0x0], $0xffff;
	[tilespmem:s14+$0x2480] =	vst v23;
	v23 =	vadd.s32 $0x2, v4;
	s9 =	sor.u32 s15, s16  }
0x12c: {  	s11 =	sand.u32 $0x40, s4;
	s24 =	sadd.s32 $0x4, s24;
	s15 =	sor.u32 s6, s0;
	v18 =	vld.idx.msk [tilespmem:v18+s5+$0x0], $0xffff;
	[tilespmem:s9+$0x0] =	vst v20  }
0x12d: {  	s18 =	sor.u32 $0x30, s11;
	p0 =	slt.u32 s24, $0xFC;
	s6 =	sadd.s32 $0x3480, s2;
	[tilespmem:s25+$0x2480] =	vst v24;
	v20 =	vld.idx.msk [tilespmem:v7+s5+$0x0], $0xffff;
	v7 =	vmov v16  }
0x12e: {  	s19 =	sor.u32 $0x10, s11;
	s0 =	sor.u32 s18, s15;
	s9 =	sor.u32 s8, s6;
	v16 =	vld.idx.msk [tilespmem:v17+s5+$0x0], $0xffff;
	[tilespmem:s10+$0x0] =	vst v21  }
0x12f: {  	s21 =	sor.u32 s11, s15;
	s14 =	sor.u32 s19, s15;
	s10 =	sor.u32 $0x20, s11;
	v17 =	vld [tilespmem:s0+$0x480];
	[tilespmem:s9+$0x0] =	vst v25  }
0x130: {  	s20 =	sor.u32 s7, s6;
	s25 =	sor.u32 s10, s15;
	s9 =	sor.u32 s3, s6;
	v21 =	vld.idx.msk [tilespmem:v23+s5+$0x0], $0xffff;
	[tilespmem:s29+$0x0] =	vst v22  }
0x131: {  	s23 =	sor.u32 s28, s16;
	s22 =	sor.u32 s13, s6;
	s6 =	sor.u32 s1, s16;
	v22 =	vld [tilespmem:s21+$0x480];
	[tilespmem:s9+$0x0] =	vst v19  }
0x132: {  	s28 =	smov.u32 s3;
	s3 =	smov.u32 s11;
	s9 =	sor.u32 s12, s16;
	v19 =	vld [tilespmem:s14+$0x480];
	[tilespmem:s20+$0x0] =	vst v18;
	v18 =	vadd.s32 $0x3, v4  }
0x133: {  	s16 =	smov.u32 s2;
	s2 =	smov.u32 s15;
	s15 =	smov.u32 s8;
	v23 =	vld [tilespmem:s25+$0x480];
	[tilespmem:s23+$0x0] =	vst v20  }
0x134: {  	s1 =	smov.u32 s7;
	s8 =	smov.u32 s18;
	s11 =	sadd.s32 $0x4480, s16;
	v20 =	vmul.u32 $0x5, v17;
	v24 =	vld.idx.msk [tilespmem:v13+s5+$0x0], $0xffff;
	[tilespmem:s22+$0x0] =	vst v16  }
0x135: {  	s18 =	sor.u32 s28, s11;
	s20 =	sor.u32 s1, s11;
	s7 =	sor.u32 s15, s11;
	v25 =	vld.idx.msk [tilespmem:v14+s5+$0x0], $0xffff  }
0x136: {  	s12 =	smov.u32 s13;
	s11 =	sor.u32 s13, s11;
	v22 =	vmul.u32 $0x5, v22;
	v26 =	vld.idx.msk [tilespmem:v15+s5+$0x0], $0xffff;
	[tilespmem:s7+$0x0] =	vst v21;
	s7 =	smov.u32 s19  }
0x137: {  	s13 =	smov.u32 s10;
	v21 =	vmul.u32 $0x5, v19;
	v27 =	vld.idx.msk [tilespmem:v18+s5+$0x0], $0xffff  }
0x138: {  	v19 =	vadd.s32 $0x1, v22;
	v13 =	vadd.s32 $0x2, v22;
	v28 =	vmul.u32 $0x5, v23;
	v29 =	vld.idx.msk [tilespmem:v5+s5+$0x0], $0xffff;
	v5 =	vmovc v12  }
0x139: {  	v30 =	vadd.s32 $0x4, v4;
	v4 =	vmovc v20;
	v18 =	vadd.s32 $0x1, v21;
	v14 =	vadd.s32 $0x2, v21;
	v31 =	vld.idx.msk [tilespmem:v6+s5+$0x0], $0xffff;
	v6 =	vmovc v11  }
0x13a: {  	v11 =	vadd.s32 $0x3, v22;
	v17 =	vadd.s32 $0x1, v28;
	v15 =	vadd.s32 $0x2, v28;
	v32 =	vld.idx.msk [tilespmem:v20+s5+$0x0], $0xffff;
	[tilespmem:s18+$0x0] =	vst v24  }
0x13b: {  	v16 =	vadd.s32 $0x4, v22;
	v33 =	vadd.s32 $0x3, v21;
	v34 =	vadd.s32 $0x3, v28;
	s18 =	sadd.s32 $0x5480, s16;
	v35 =	vld.idx.msk [tilespmem:v8+s5+$0x0], $0xffff;
	[tilespmem:s20+$0x0] =	vst v25;
	v8 =	vmovc v11  }
0x13c: {  	v12 =	vadd.s32 $0x4, v21;
	v11 =	vadd.s32 $0x4, v28;
	v25 =	vadd.s32 $0x1, v4;
	s19 =	sor.u32 s28, s18;
	s10 =	sor.u32 s1, s18;
	v22 =	vld.idx.msk [tilespmem:v22+s5+$0x0], $0xffff;
	[tilespmem:s11+$0x0] =	vst v26;
	s11 =	sor.u32 s15, s18  }
0x13d: {  	s29 =	sor.u32 s12, s18;
	v23 =	vld.idx.msk [tilespmem:v21+s5+$0x0], $0xffff;
	[tilespmem:s11+$0x0] =	vst v27  }
.Ltmp4:
0x13e: {  	v20 =	vld.idx.msk [tilespmem:v30+s5+$0x0], $0xffff;
	[tilespmem:s6+$0x0] =	vst v29;
	(pc) =	sbr.rel @p0 .LBB2_9-.Ltmp4, $4  }
0x13f: {  	v24 =	vld.idx.msk [tilespmem:v28+s5+$0x0], $0xffff;
	[tilespmem:s9+$0x0] =	vst v31  }
0x140: {  	[tilespmem:s0+$0x2480] =	vst v32;
	v21 =	vld.idx.msk [tilespmem:v9+s5+$0x0], $0xffff;
	v9 =	vmov v33  }
0x141: {  	s26 =	sadd.s32 $0x200, s26;
	v25 =	vld.idx.msk [tilespmem:v25+s5+$0x0], $0xffff;
	[tilespmem:s19+$0x0] =	vst v35  }
0x142: {  	s4 =	sadd.s32 $0x40, s4;
	s17 =	sadd.s32 $0x10, s17;
	s16 =	sadd.s32 $0x6480, s16;
	[tilespmem:s21+$0x2480] =	vst v22;
	v22 =	vld.idx.msk [tilespmem:v10+s5+$0x0], $0xffff;
	v10 =	vmov v34  }
0x143: {  	_ =	sdelay $0x3  }
0x144: {  	v19 =	vld.idx.msk [tilespmem:v19+s5+$0x0], $0xffff;
	[tilespmem:s14+$0x2480] =	vst v23;
	v58 =	vadd.s32 $0x2, v4  }
0x145: {  	v18 =	vld.idx.msk [tilespmem:v18+s5+$0x0], $0xffff;
	[tilespmem:s25+$0x2480] =	vst v24  }
0x146: {  	s0 =	sadd.s32 $0x3480, s2;
	v17 =	vld.idx.msk [tilespmem:v17+s5+$0x0], $0xffff  }
0x147: {  	s4 =	sor.u32 s8, s0  }
0x148: {  	s24 =	sor.u32 s3, s0;
	[tilespmem:s4+$0x0] =	vst v25  }
0x149: {  	s25 =	sor.u32 s7, s0;
	[tilespmem:s24+$0x0] =	vst v19;
	v59 =	vld.idx.msk [tilespmem:v58+s5+$0x0], $0xffff  }
0x14a: {  	v60 =	vadd.s32 $0x3, v4;
	s0 =	sor.u32 s13, s0;
	[tilespmem:s25+$0x0] =	vst v18;
	v13 =	vld.idx.msk [tilespmem:v13+s5+$0x0], $0xffff  }
0x14b: {  	s26 =	sor.u32 s15, s16;
	[tilespmem:s0+$0x0] =	vst v17;
	v14 =	vld.idx.msk [tilespmem:v14+s5+$0x0], $0xffff  }
0x14c: {  	s31 =	sadd.s32 $0x4480, s2;
	[tilespmem:s26+$0x0] =	vst v20;
	v15 =	vld.idx.msk [tilespmem:v15+s5+$0x0], $0xffff  }
0x14d: {  	s9 =	sor.u32 s8, s31;
	[tilespmem:s10+$0x0] =	vst v21  }
0x14e: {  	v7 =	vld.idx.msk [tilespmem:v7+s5+$0x0], $0xffff;
	s6 =	sor.u32 s3, s31;
	[tilespmem:s9+$0x0] =	vst v59  }
0x14f: {  	s10 =	sor.u32 s7, s31;
	v61 =	vld.idx.msk [tilespmem:v60+s5+$0x0], $0xffff;
	[tilespmem:s6+$0x0] =	vst v13  }
0x150: {  	v4 =	vadd.s32 $0x4, v4;
	s0 =	sor.u32 s13, s31;
	v8 =	vld.idx.msk [tilespmem:v8+s5+$0x0], $0xffff;
	[tilespmem:s10+$0x0] =	vst v14  }
0x151: {  	[tilespmem:s0+$0x0] =	vst v15;
	v9 =	vld.idx.msk [tilespmem:v9+s5+$0x0], $0xffff  }
0x152: {  	s11 =	sor.u32 s28, s16;
	s14 =	sadd.s32 $0x5480, s2;
	[tilespmem:s29+$0x0] =	vst v22;
	v10 =	vld.idx.msk [tilespmem:v10+s5+$0x0], $0xffff  }
0x153: {  	s15 =	sor.u32 s8, s14;
	v5 =	vld.idx.msk [tilespmem:v5+s5+$0x0], $0xffff;
	[tilespmem:s11+$0x0] =	vst v7  }
0x154: {  	s17 =	sor.u32 s3, s14;
	v6 =	vld.idx.msk [tilespmem:v6+s5+$0x0], $0xffff;
	[tilespmem:s15+$0x0] =	vst v61  }
0x155: {  	s18 =	sor.u32 s7, s14;
	v4 =	vld.idx.msk [tilespmem:v4+s5+$0x0], $0xffff;
	[tilespmem:s17+$0x0] =	vst v8  }
0x156: {  	s4 =	sor.u32 s13, s14;
	v62 =	vld.idx.msk [tilespmem:v16+s5+$0x0], $0xffff;
	[tilespmem:s18+$0x0] =	vst v9  }
0x157: {  	s19 =	sor.u32 s1, s16;
	[tilespmem:s4+$0x0] =	vst v10;
	v63 =	vld.idx.msk [tilespmem:v12+s5+$0x0], $0xffff  }
0x158: {  	s20 =	sor.u32 s12, s16;
	s21 =	sadd.s32 $0x6480, s2;
	[tilespmem:s19+$0x0] =	vst v5;
	v5 =	vld.idx.msk [tilespmem:v11+s5+$0x0], $0xffff  }
0x159: {  	s22 =	sor.u32 s8, s21;
	[tilespmem:s20+$0x0] =	vst v6  }
0x15a: {  	s23 =	sor.u32 s3, s21;
	[tilespmem:s22+$0x0] =	vst v4  }
0x15b: {  	s2 =	sor.u32 s7, s21;
	[tilespmem:s23+$0x0] =	vst v62  }
0x15c: {  	s0 =	sor.u32 s13, s21;
	[tilespmem:s2+$0x0] =	vst v63  }
0x15d: {  	s28 =	simm.s32 $0x4;
	s26 =	simm.s32 $0x2480;
	[tilespmem:s0+$0x0] =	vst v5  }
0x15e: {  	s24 =	simm.s32 $0x1000;
	s25 =	simm.s32 $0x320000;
	s0 =	rddreg [dreg:$0xa]  }
0x15f: {  	[hbm4b:s0+s24] =	stream.strided.scatter [tilespmem:s26], [sflag:$0x3], $0x5000, s25, s24, $0x38;
	[tilespmem:$0xC480] =	vst v63  }
0x160: {  	_ =	swait.ge [sflag:s28], $0x5000  }
0x161: {  	[sflag:s28] =	ssyncset.done $0x0  }
0x162: {  	[sflag:s28] =	ssyncadd.s32 $0xFFFFB000  }
0x163: {  	_ =	swait.ge [sflag:s30], $0x5000  }
0x164: {  	s29 =	rddreg [dreg:$0xc]  }
0x165: {  	s31 =	rddreg [dreg:$0xb];
	s1 =	sadd.s32 $0x1, s29  }
0x166: {  	p0 =	sne.s32 s1, s31  }
.Ltmp5:
0x167: {  	_ = 	snop;
	(pc) =	sbr.rel @p0 .LBB2_1-.Ltmp5, $3  }
0x168: {  	_ =	sdelay $0x1  }
0x169: {  	[sflag:s30] =	ssyncset.done $0x0  }
0x16a: {  	[sflag:s30] =	ssyncadd.s32 $0xFFFFB000  }
0x16b: {  	_ =	sfence.sel $0x180000  }
0x16c: {  	[bflag:$0x0] =	sbarrier.arrive $0xFFFF  }
0x16d: {  	_ =	strace $0x90000047  }
0x16e: {  	s0 =	stileid.u32;
	[bflag:$0x2] =	sbarrier.arrive $0xFFFF  }
0x16f: {  	p0 =	sne.s32 s0, $0x0;
	s0 =	rddreg [dreg:$0x3]  }
0x170: {  	s0 =	sadd.s32 @!p0 $0x100000, s0  }
0x171: {  	[sflag:s0] =	ssyncadd.tile.s32 @!p0 $0x1;
	_ =	shalt  }
.Lfunc_end2:
_tile_overlayer_lowered:
.L_overlay_start_2:
0x172: {  	(tag) =	ssettag $0x2  }
0x173: {  	s0 =	rddreg [dreg:$0x0];
	s2 =	stileid.u32  }
0x174: {  	s1 =	rddreg [dreg:$0x1];
	p0 =	sne.s32 s2, $0x0  }
0x175: {  	s3 =	rddreg [dreg:$0x2];
	[bflag:$0x3] =	sbarrier.arrive $0xFFFF;
	s2 =	simm.s32 @!p0 $0x1C05  }
0x176: {  	[timem:s3], [sflag:s2] =	dma.local @!p0 [hbm:s0], s1  }
0x177: {  	s0 =	simm.s32 @!p0 $0x5  }
0x178: {  	_ =	swait.ge @!p0 [sflag:s0], s1  }
0x179: {  	s1 =	ssub.s32 @!p0 $0x0, s1;
	[sflag:s0] =	ssyncset.done @!p0 $0x0  }
0x17a: {  	[sflag:s0] =	ssyncadd.s32 @!p0 s1  }
0x17b: {  	[bflag:$0x3] =	sbarrier.arrive $0xFFFF  }
0x17c: {  	_ =	shalt  }

</sc_bundles>
